<compile_context>
chip_gen: v7x
topology: tpu7x:2x2x1
jax: 0.10.2.dev20260603
libtpu: 0.0.44.dev20260713+nightly
codegen_flags: <defaults>
</compile_context>

<pallas_src>
import functools

import jax
import jax.numpy as jnp
from jax import lax
from jax.experimental import pallas as pl
from jax.experimental.pallas import tpu as pltpu
from jax.experimental.pallas import tpu_sc as plsc

N = 10000
E = 320000
NFEAT = 128
NHID = 128
NCLASS = 40

NPAD = 10240
RPT = NPAD // 16
D2 = 64
CHUNK = 128
NW = 32
CPW = 80
EPW = CPW * CHUNK
EPAD = EPW * NW

_mesh = plsc.VectorSubcoreMesh(core_axis_name="c", subcore_axis_name="s")


def _worker(c, s):
    return s * 2 + c


def _sc_degree(dst3, zeros16, ones16):

    @functools.partial(
        pl.kernel,
        out_type=jax.ShapeDtypeStruct((2 * NPAD, 16), jnp.float32),
        mesh=_mesh,
        compiler_params=pltpu.CompilerParams(use_tc_tiling_on_sc=False),
        scratch_types=[
            pltpu.VMEM((CPW, CHUNK), jnp.int32),
            pltpu.VMEM((CHUNK, 16), jnp.float32),
            pltpu.VMEM_SHARED((NPAD, 16), jnp.float32),
        ],
    )
    def k(dst_hbm, z_hbm, ones_hbm, out_hbm, dst_v, ones_v, acc_s):
        c = lax.axis_index("c")
        s = lax.axis_index("s")
        w = _worker(c, s)
        pltpu.sync_copy(z_hbm.at[pl.ds(s * RPT, RPT)],
                        acc_s.at[pl.ds(s * RPT, RPT)])
        pltpu.sync_copy(dst_hbm.at[w], dst_v)
        pltpu.sync_copy(ones_hbm, ones_v)
        plsc.subcore_barrier()

        def body(j, _):
            pltpu.sync_copy(ones_v, acc_s.at[dst_v.at[j]], add=True)
            return 0

        lax.fori_loop(0, CPW, body, 0)
        plsc.subcore_barrier()
        pltpu.sync_copy(acc_s.at[pl.ds(s * RPT, RPT)],
                        out_hbm.at[pl.ds(c * NPAD + s * RPT, RPT)])

    return k(dst3, zeros16, ones16)


def _sc_aggregate(hs, src3, dst3, zeros, d, nbuf, nh, tct):
    cph = CPW // nh

    @functools.partial(
        pl.kernel,
        out_type=jax.ShapeDtypeStruct((2 * NPAD, d), jnp.float32),
        mesh=_mesh,
        compiler_params=pltpu.CompilerParams(use_tc_tiling_on_sc=tct),
        scratch_types=[
            pltpu.VMEM((cph, CHUNK), jnp.int32),
            pltpu.VMEM((cph, CHUNK), jnp.int32),
        ] + [pltpu.VMEM((CHUNK, d), jnp.float32) for _ in range(nbuf)] + [
            pltpu.VMEM_SHARED((NPAD, d), jnp.float32),
        ] + [pltpu.SemaphoreType.DMA for _ in range(2 * nbuf)],
    )
    def k(hs_hbm, src_hbm, dst_hbm, z_hbm, out_hbm,
          src_v, dst_v, *bufs_acc_sems):
        rows = bufs_acc_sems[:nbuf]
        acc_s = bufs_acc_sems[nbuf]
        sems = bufs_acc_sems[nbuf + 1:nbuf + 1 + nbuf]
        ssems = bufs_acc_sems[nbuf + 1 + nbuf:]
        c = lax.axis_index("c")
        s = lax.axis_index("s")
        w = _worker(c, s)
        pltpu.sync_copy(z_hbm.at[pl.ds(s * RPT, RPT)],
                        acc_s.at[pl.ds(s * RPT, RPT)])
        plsc.subcore_barrier()

        for h in range(nh):
            pltpu.sync_copy(src_hbm.at[w * nh + h], src_v)
            pltpu.sync_copy(dst_hbm.at[w * nh + h], dst_v)

            for b in range(nbuf):
                pltpu.async_copy(hs_hbm.at[src_v.at[b]], rows[b], sems[b])

            def body(g, _):
                sd = []
                for b in range(nbuf):
                    j = g * nbuf + b
                    pltpu.make_async_copy(hs_hbm.at[src_v.at[j]],
                                          rows[b], sems[b]).wait()
                    sd.append(pltpu.async_copy(
                        rows[b], acc_s.at[dst_v.at[j]], ssems[b], add=True))
                for b in range(nbuf):
                    j = g * nbuf + b
                    sd[b].wait()
                    pltpu.async_copy(hs_hbm.at[src_v.at[j + nbuf]],
                                     rows[b], sems[b])
                return 0

            lax.fori_loop(0, cph // nbuf - 1, body, 0)
            for b in range(nbuf):
                j = cph - nbuf + b
                pltpu.make_async_copy(hs_hbm.at[src_v.at[j]],
                                      rows[b], sems[b]).wait()
                pltpu.sync_copy(rows[b], acc_s.at[dst_v.at[j]], add=True)
        plsc.subcore_barrier()
        pltpu.sync_copy(acc_s.at[pl.ds(s * RPT, RPT)],
                        out_hbm.at[pl.ds(c * NPAD + s * RPT, RPT)])

    return k(hs, src3, dst3, zeros)


_BLK = 1024
_GRID = NPAD // _BLK


def _tc_scale_matmul(d0, d1, x, W1):

    def body(d0_r, d1_r, x_r, w_r, hs_r, dinv_r):
        deg = d0_r[:, 0:1] + d1_r[:, 0:1] + 1.0
        dinv = lax.rsqrt(deg)
        h = jnp.dot(x_r[...], w_r[...], preferred_element_type=jnp.float32,
                    precision=lax.Precision.HIGHEST)
        hs_r[...] = h * dinv
        dinv_r[...] = jnp.broadcast_to(dinv, (_BLK, 16))

    return pl.pallas_call(
        body,
        grid=(_GRID,),
        in_specs=[
            pl.BlockSpec((_BLK, 16), lambda i: (i, 0)),
            pl.BlockSpec((_BLK, 16), lambda i: (i, 0)),
            pl.BlockSpec((_BLK, NFEAT), lambda i: (i, 0)),
            pl.BlockSpec((NFEAT, NHID), lambda i: (0, 0)),
        ],
        out_specs=[
            pl.BlockSpec((_BLK, NHID), lambda i: (i, 0)),
            pl.BlockSpec((_BLK, 16), lambda i: (i, 0)),
        ],
        out_shape=[
            jax.ShapeDtypeStruct((NPAD, NHID), jnp.float32),
            jax.ShapeDtypeStruct((NPAD, 16), jnp.float32),
        ],
    )(d0, d1, x, W1)


def _tc_layer1_finish(p0, p1, hs1, dinv16, b1, W2p):

    def body(p0_r, p1_r, hs_r, di_r, b1_r, w_r, o_r):
        dinv = di_r[:, 0:1]
        agg = (p0_r[...] + p1_r[...] + hs_r[...]) * dinv + b1_r[...]
        o1 = jnp.maximum(agg, 0.0)
        h2 = jnp.dot(o1, w_r[...], preferred_element_type=jnp.float32,
                     precision=lax.Precision.HIGHEST)
        o_r[...] = h2 * dinv

    return pl.pallas_call(
        body,
        grid=(_GRID,),
        in_specs=[
            pl.BlockSpec((_BLK, NHID), lambda i: (i, 0)),
            pl.BlockSpec((_BLK, NHID), lambda i: (i, 0)),
            pl.BlockSpec((_BLK, NHID), lambda i: (i, 0)),
            pl.BlockSpec((_BLK, 16), lambda i: (i, 0)),
            pl.BlockSpec((1, NHID), lambda i: (0, 0)),
            pl.BlockSpec((NHID, D2), lambda i: (0, 0)),
        ],
        out_specs=pl.BlockSpec((_BLK, D2), lambda i: (i, 0)),
        out_shape=jax.ShapeDtypeStruct((NPAD, D2), jnp.float32),
    )(p0, p1, hs1, dinv16, b1, W2p)


def _tc_layer2_finish(q0, q1, hs2, dinv16, b2p):

    def body(q0_r, q1_r, hs_r, di_r, b2_r, o_r):
        dinv = di_r[:, 0:1]
        logits = (q0_r[...] + q1_r[...] + hs_r[...]) * dinv + b2_r[...]
        mask = lax.broadcasted_iota(jnp.int32, (_BLK, D2), 1) < NCLASS
        masked = jnp.where(mask, logits, -jnp.inf)
        m = jnp.max(masked, axis=1, keepdims=True)
        ex = jnp.where(mask, jnp.exp(logits - m), 0.0)
        lse = jnp.log(jnp.sum(ex, axis=1, keepdims=True))
        o_r[...] = logits - m - lse

    return pl.pallas_call(
        body,
        grid=(_GRID,),
        in_specs=[
            pl.BlockSpec((_BLK, D2), lambda i: (i, 0)),
            pl.BlockSpec((_BLK, D2), lambda i: (i, 0)),
            pl.BlockSpec((_BLK, D2), lambda i: (i, 0)),
            pl.BlockSpec((_BLK, 16), lambda i: (i, 0)),
            pl.BlockSpec((1, D2), lambda i: (0, 0)),
        ],
        out_specs=pl.BlockSpec((_BLK, D2), lambda i: (i, 0)),
        out_shape=jax.ShapeDtypeStruct((NPAD, D2), jnp.float32),
    )(q0, q1, hs2, dinv16, b2p)


def kernel(x, edge_index, W1, b1, W2, b2):
    src = edge_index[0].astype(jnp.int32)
    dst = edge_index[1].astype(jnp.int32)
    pad = jnp.full((EPAD - E,), N, jnp.int32)
    srcp = jnp.concatenate([src, pad])
    dstp = jnp.concatenate([dst, pad])
    src3 = srcp.reshape(NW, CPW, CHUNK)
    dst3 = dstp.reshape(NW, CPW, CHUNK)
    src3h = srcp.reshape(NW * 2, CPW // 2, CHUNK)
    dst3h = dstp.reshape(NW * 2, CPW // 2, CHUNK)

    xp = jnp.zeros((NPAD, NFEAT), jnp.float32).at[:N].set(x)
    W2p = jnp.zeros((NHID, D2), jnp.float32).at[:, :NCLASS].set(W2)
    b1r = b1.reshape(1, NHID)
    b2r = jnp.zeros((1, D2), jnp.float32).at[0, :NCLASS].set(b2)

    zeros16 = jnp.zeros((NPAD, 16), jnp.float32)
    zeros128 = jnp.zeros((NPAD, NHID), jnp.float32)
    zerosd2 = jnp.zeros((NPAD, D2), jnp.float32)
    ones16 = jnp.ones((CHUNK, 16), jnp.float32)

    degp = _sc_degree(dst3, zeros16, ones16)
    hs1, dinv16 = _tc_scale_matmul(degp[:NPAD], degp[NPAD:], xp, W1)
    p = _sc_aggregate(hs1, src3h, dst3h, zeros128, NHID,
                      nbuf=2, nh=2, tct=True)
    hs2 = _tc_layer1_finish(p[:NPAD], p[NPAD:], hs1, dinv16, b1r, W2p)
    q = _sc_aggregate(hs2, src3, dst3, zerosd2, D2,
                      nbuf=4, nh=1, tct=False)
    out = _tc_layer2_finish(q[:NPAD], q[NPAD:], hs2, dinv16, b2r)
    return out[:N, :NCLASS]

# --- scband reference (transcript-rebuilt; emitter-appended) ---
"""Pipeline reference for scband-gcn-26268019982948 (READ-ONLY COPY).

The authoritative reference and input builder live on the scoring server;
editing this copy changes nothing except your own understanding.
"""

import jax, jax.numpy as jnp
import numpy as np

N = 10000
E = 320000
NFEAT = 128
NHID = 128
NCLASS = 40


def setup_inputs(seed: int = 0) -> dict:
    key = jax.random.key(seed)
    k1, k2, k3, k4 = jax.random.split(key, 4)
    x = jax.random.normal(k1, (N, NFEAT), dtype=jnp.float32)
    edge_index = jax.random.randint(k2, (2, E), 0, N).astype(jnp.int64)
    # GCNConv layer 1 params (glorot-style init, zero bias like PyG defaults)
    W1 = jax.random.normal(k3, (NFEAT, NHID), dtype=jnp.float32) * (1.0 / np.sqrt(NFEAT))
    b1 = jnp.zeros((NHID,), dtype=jnp.float32)
    # GCNConv layer 2 (gc2) params
    W2 = jax.random.normal(k4, (NHID, NCLASS), dtype=jnp.float32) * (1.0 / np.sqrt(NHID))
    b2 = jnp.zeros((NCLASS,), dtype=jnp.float32)
    return {"x": x, "edge_index": edge_index, "W1": W1, "b1": b1, "W2": W2, "b2": b2}


def _gcn_conv(x, edge_index, W, b):
    # PyG GCNConv with add_self_loops=True, normalize=True, edge_weight=None
    src = edge_index[0]
    dst = edge_index[1]
    loop = jnp.arange(N, dtype=src.dtype)
    src = jnp.concatenate([src, loop])
    dst = jnp.concatenate([dst, loop])
    ew = jnp.ones(src.shape[0], dtype=x.dtype)
    deg = jax.ops.segment_sum(ew, dst, num_segments=N)
    dinv = jnp.where(deg > 0, deg ** -0.5, 0.0)
    norm = dinv[src] * dinv[dst]
    h = x @ W
    msg = h[src] * norm[:, None]
    out = jax.ops.segment_sum(msg, dst, num_segments=N)
    return out + b


def reference(x, edge_index, W1, b1, W2, b2):
    # layer_norm_first=False, use_ln=False, eval mode (dropout = identity)
    h = jax.nn.relu(_gcn_conv(x, edge_index, W1, b1))
    h = _gcn_conv(h, edge_index, W2, b2)
    return jax.nn.log_softmax(h, axis=1)

if __name__ == "__main__":
    import jax
    _d = setup_inputs()
    print(jax.jit(kernel)(*tuple(_d.values())))

</pallas_src>

<mosaic_0001>
#map = affine_map<(d0, d1) -> (0, 0)>
#map1 = affine_map<(d0, d1) -> (0, 0, 0)>
module attributes {stable_mosaic.version = 14 : i64} {
  func.func @k(%arg0: i32, %arg1: i32, %arg2: memref<10240x64xf32, #tpu.memory_space<hbm>>, %arg3: memref<32x80x128xi32, #tpu.memory_space<hbm>>, %arg4: memref<32x80x128xi32, #tpu.memory_space<hbm>>, %arg5: memref<10240x64xf32, #tpu.memory_space<hbm>>, %arg6: memref<20480x64xf32, #tpu.memory_space<hbm>>, %arg7: memref<80x128xi32, #tpu.memory_space<vmem>>, %arg8: memref<80x128xi32, #tpu.memory_space<vmem>>, %arg9: memref<128x64xf32, #tpu.memory_space<vmem>>, %arg10: memref<128x64xf32, #tpu.memory_space<vmem>>, %arg11: memref<128x64xf32, #tpu.memory_space<vmem>>, %arg12: memref<128x64xf32, #tpu.memory_space<vmem>>, %arg13: memref<10240x64xf32, #tpu.memory_space<vmem_shared>>, %arg14: memref<!tpu.dma_semaphore, #tpu.memory_space<semaphore_mem>>, %arg15: memref<!tpu.dma_semaphore, #tpu.memory_space<semaphore_mem>>, %arg16: memref<!tpu.dma_semaphore, #tpu.memory_space<semaphore_mem>>, %arg17: memref<!tpu.dma_semaphore, #tpu.memory_space<semaphore_mem>>, %arg18: memref<!tpu.dma_semaphore, #tpu.memory_space<semaphore_mem>>, %arg19: memref<!tpu.dma_semaphore, #tpu.memory_space<semaphore_mem>>, %arg20: memref<!tpu.dma_semaphore, #tpu.memory_space<semaphore_mem>>, %arg21: memref<!tpu.dma_semaphore, #tpu.memory_space<semaphore_mem>>) attributes {dimension_semantics = [#tpu.dimension_semantics<core_parallel>, #tpu.dimension_semantics<subcore_parallel>], iteration_bounds = array<i64: 2, 16>, scalar_prefetch = 0 : i64, scratch_operands = 15 : i64, tpu.core_type = #tpu.core_type<sc_vector_subcore>, window_params = [{transform_indices = #map}, {transform_indices = #map1}, {transform_indices = #map1}, {transform_indices = #map}, {transform_indices = #map}]} {
    %mul3A = arith.constant 2 : i32
    %mul3A_0 = arith.muli %arg1, %mul3A : i32
    %add3A = arith.addi %mul3A_0, %arg0 : i32
    %mul3A_1 = arith.constant 640 : i32
    %mul3A_2 = arith.muli %arg1, %mul3A_1 : i32
    %mul3A_3 = arith.constant 640 : i32
    %mul3A_4 = arith.muli %arg1, %mul3A_3 : i32
    "tpu.region"() ({
      %run_scoped3A_84 = tpu.sem_alloc : memref<!tpu.dma_semaphore, #tpu.memory_space<semaphore_mem>>
      %dma_start3A_85 = arith.constant 0 : i32
      %dma_start3A_86 = tpu.memref_slice %arg13[%mul3A_4, %dma_start3A_85] : memref<10240x64xf32, #tpu.memory_space<vmem_shared>> -> memref<640x64xf32, #tpu.memory_space<vmem_shared>>
      %dma_start3A_87 = arith.constant 0 : i32
      %dma_start3A_88 = tpu.memref_slice %arg5[%mul3A_2, %dma_start3A_87] : memref<10240x64xf32, #tpu.memory_space<hbm>> -> memref<640x64xf32, #tpu.memory_space<hbm>>
      tpu.enqueue_dma source(%dma_start3A_88 : memref<640x64xf32, #tpu.memory_space<hbm>>) target(%dma_start3A_86 : memref<640x64xf32, #tpu.memory_space<vmem_shared>>) target_semaphore(%run_scoped3A_84 : memref<!tpu.dma_semaphore, #tpu.memory_space<semaphore_mem>>)
      %dma_wait3A_89 = arith.constant 0 : i32
      %dma_wait3A_90 = tpu.memref_slice %arg13[%mul3A_4, %dma_wait3A_89] : memref<10240x64xf32, #tpu.memory_space<vmem_shared>> -> memref<640x64xf32, #tpu.memory_space<vmem_shared>>
      %dma_wait3A_91 = arith.constant 0 : i32
      %dma_wait3A_92 = tpu.memref_slice %arg5[%mul3A_2, %dma_wait3A_91] : memref<10240x64xf32, #tpu.memory_space<hbm>> -> memref<640x64xf32, #tpu.memory_space<hbm>>
      tpu.wait_dma2 semaphore(%run_scoped3A_84 : memref<!tpu.dma_semaphore, #tpu.memory_space<semaphore_mem>>) src(%dma_wait3A_92 : memref<640x64xf32, #tpu.memory_space<hbm>>) dst(%dma_wait3A_90 : memref<640x64xf32, #tpu.memory_space<vmem_shared>>)
      tpu.yield
    }) : () -> ()
    %barrier3A = arith.constant 0 : index
    tpu.barrier barrier_id(%barrier3A)
    %mul3A_5 = arith.constant 1 : i32
    %mul3A_6 = arith.muli %add3A, %mul3A_5 : i32
    %add3A_7 = arith.constant 0 : i32
    %add3A_8 = arith.addi %mul3A_6, %add3A_7 : i32
    "tpu.region"() ({
      %run_scoped3A_84 = tpu.sem_alloc : memref<!tpu.dma_semaphore, #tpu.memory_space<semaphore_mem>>
      %dma_start3A_85 = arith.constant 0 : i32
      %dma_start3A_86 = arith.constant 0 : i32
      %dma_start3A_87 = tpu.memref_slice %arg3[%add3A_8, %dma_start3A_85, %dma_start3A_86] : memref<32x80x128xi32, #tpu.memory_space<hbm>> -> memref<1x80x128xi32, #tpu.memory_space<hbm>>
      %dma_start3A_88 = tpu.memref_squeeze %dma_start3A_87 : memref<1x80x128xi32, #tpu.memory_space<hbm>> -> memref<80x128xi32, #tpu.memory_space<hbm>>
      %dma_start3A_89 = arith.constant 0 : i32
      %dma_start3A_90 = arith.constant 0 : i32
      %dma_start3A_91 = tpu.memref_slice %arg3[%add3A_8, %dma_start3A_89, %dma_start3A_90] : memref<32x80x128xi32, #tpu.memory_space<hbm>> -> memref<1x80x128xi32, #tpu.memory_space<hbm>>
      %dma_start3A_92 = tpu.memref_squeeze %dma_start3A_91 : memref<1x80x128xi32, #tpu.memory_space<hbm>> -> memref<80x128xi32, #tpu.memory_space<hbm>>
      tpu.enqueue_dma source(%dma_start3A_92 : memref<80x128xi32, #tpu.memory_space<hbm>>) target(%arg7 : memref<80x128xi32, #tpu.memory_space<vmem>>) target_semaphore(%run_scoped3A_84 : memref<!tpu.dma_semaphore, #tpu.memory_space<semaphore_mem>>)
      %dma_wait3A_93 = arith.constant 0 : i32
      %dma_wait3A_94 = arith.constant 0 : i32
      %dma_wait3A_95 = tpu.memref_slice %arg3[%add3A_8, %dma_wait3A_93, %dma_wait3A_94] : memref<32x80x128xi32, #tpu.memory_space<hbm>> -> memref<1x80x128xi32, #tpu.memory_space<hbm>>
      %dma_wait3A_96 = tpu.memref_squeeze %dma_wait3A_95 : memref<1x80x128xi32, #tpu.memory_space<hbm>> -> memref<80x128xi32, #tpu.memory_space<hbm>>
      %dma_wait3A_97 = arith.constant 0 : i32
      %dma_wait3A_98 = arith.constant 0 : i32
      %dma_wait3A_99 = tpu.memref_slice %arg3[%add3A_8, %dma_wait3A_97, %dma_wait3A_98] : memref<32x80x128xi32, #tpu.memory_space<hbm>> -> memref<1x80x128xi32, #tpu.memory_space<hbm>>
      %dma_wait3A_100 = tpu.memref_squeeze %dma_wait3A_99 : memref<1x80x128xi32, #tpu.memory_space<hbm>> -> memref<80x128xi32, #tpu.memory_space<hbm>>
      tpu.wait_dma2 semaphore(%run_scoped3A_84 : memref<!tpu.dma_semaphore, #tpu.memory_space<semaphore_mem>>) src(%dma_wait3A_100 : memref<80x128xi32, #tpu.memory_space<hbm>>) dst(%arg7 : memref<80x128xi32, #tpu.memory_space<vmem>>)
      tpu.yield
    }) : () -> ()
    %mul3A_9 = arith.constant 1 : i32
    %mul3A_10 = arith.muli %add3A, %mul3A_9 : i32
    %add3A_11 = arith.constant 0 : i32
    %add3A_12 = arith.addi %mul3A_10, %add3A_11 : i32
    "tpu.region"() ({
      %run_scoped3A_84 = tpu.sem_alloc : memref<!tpu.dma_semaphore, #tpu.memory_space<semaphore_mem>>
      %dma_start3A_85 = arith.constant 0 : i32
      %dma_start3A_86 = arith.constant 0 : i32
      %dma_start3A_87 = tpu.memref_slice %arg4[%add3A_12, %dma_start3A_85, %dma_start3A_86] : memref<32x80x128xi32, #tpu.memory_space<hbm>> -> memref<1x80x128xi32, #tpu.memory_space<hbm>>
      %dma_start3A_88 = tpu.memref_squeeze %dma_start3A_87 : memref<1x80x128xi32, #tpu.memory_space<hbm>> -> memref<80x128xi32, #tpu.memory_space<hbm>>
      %dma_start3A_89 = arith.constant 0 : i32
      %dma_start3A_90 = arith.constant 0 : i32
      %dma_start3A_91 = tpu.memref_slice %arg4[%add3A_12, %dma_start3A_89, %dma_start3A_90] : memref<32x80x128xi32, #tpu.memory_space<hbm>> -> memref<1x80x128xi32, #tpu.memory_space<hbm>>
      %dma_start3A_92 = tpu.memref_squeeze %dma_start3A_91 : memref<1x80x128xi32, #tpu.memory_space<hbm>> -> memref<80x128xi32, #tpu.memory_space<hbm>>
      tpu.enqueue_dma source(%dma_start3A_92 : memref<80x128xi32, #tpu.memory_space<hbm>>) target(%arg8 : memref<80x128xi32, #tpu.memory_space<vmem>>) target_semaphore(%run_scoped3A_84 : memref<!tpu.dma_semaphore, #tpu.memory_space<semaphore_mem>>)
      %dma_wait3A_93 = arith.constant 0 : i32
      %dma_wait3A_94 = arith.constant 0 : i32
      %dma_wait3A_95 = tpu.memref_slice %arg4[%add3A_12, %dma_wait3A_93, %dma_wait3A_94] : memref<32x80x128xi32, #tpu.memory_space<hbm>> -> memref<1x80x128xi32, #tpu.memory_space<hbm>>
      %dma_wait3A_96 = tpu.memref_squeeze %dma_wait3A_95 : memref<1x80x128xi32, #tpu.memory_space<hbm>> -> memref<80x128xi32, #tpu.memory_space<hbm>>
      %dma_wait3A_97 = arith.constant 0 : i32
      %dma_wait3A_98 = arith.constant 0 : i32
      %dma_wait3A_99 = tpu.memref_slice %arg4[%add3A_12, %dma_wait3A_97, %dma_wait3A_98] : memref<32x80x128xi32, #tpu.memory_space<hbm>> -> memref<1x80x128xi32, #tpu.memory_space<hbm>>
      %dma_wait3A_100 = tpu.memref_squeeze %dma_wait3A_99 : memref<1x80x128xi32, #tpu.memory_space<hbm>> -> memref<80x128xi32, #tpu.memory_space<hbm>>
      tpu.wait_dma2 semaphore(%run_scoped3A_84 : memref<!tpu.dma_semaphore, #tpu.memory_space<semaphore_mem>>) src(%dma_wait3A_100 : memref<80x128xi32, #tpu.memory_space<hbm>>) dst(%arg8 : memref<80x128xi32, #tpu.memory_space<vmem>>)
      tpu.yield
    }) : () -> ()
    %dma_start3A = arith.constant 0 : i32
    %dma_start3A_13 = arith.constant 0 : i32
    %dma_start3A_14 = tpu.memref_slice %arg7[%dma_start3A, %dma_start3A_13] : memref<80x128xi32, #tpu.memory_space<vmem>> -> memref<1x128xi32, #tpu.memory_space<vmem>>
    %dma_start3A_15 = tpu.memref_squeeze %dma_start3A_14 : memref<1x128xi32, #tpu.memory_space<vmem>> -> memref<128xi32, #tpu.memory_space<vmem>>
    %dma_start3A_16 = arith.constant 0 : i32
    %dma_start3A_17 = arith.constant 0 : i32
    %dma_start3A_18 = tpu.memref_slice %arg2[%dma_start3A_16, %dma_start3A_17] : memref<10240x64xf32, #tpu.memory_space<hbm>> -> memref<10240x64xf32, #tpu.memory_space<hbm>>
    tpu.enqueue_indirect_dma source(%dma_start3A_18 : memref<10240x64xf32, #tpu.memory_space<hbm>>) target(%arg9 : memref<128x64xf32, #tpu.memory_space<vmem>>) offsets(%dma_start3A_15 : memref<128xi32, #tpu.memory_space<vmem>>) semaphore(%arg14 : memref<!tpu.dma_semaphore, #tpu.memory_space<semaphore_mem>>)
    %dma_start3A_19 = arith.constant 1 : i32
    %dma_start3A_20 = arith.constant 0 : i32
    %dma_start3A_21 = tpu.memref_slice %arg7[%dma_start3A_19, %dma_start3A_20] : memref<80x128xi32, #tpu.memory_space<vmem>> -> memref<1x128xi32, #tpu.memory_space<vmem>>
    %dma_start3A_22 = tpu.memref_squeeze %dma_start3A_21 : memref<1x128xi32, #tpu.memory_space<vmem>> -> memref<128xi32, #tpu.memory_space<vmem>>
    %dma_start3A_23 = arith.constant 0 : i32
    %dma_start3A_24 = arith.constant 0 : i32
    %dma_start3A_25 = tpu.memref_slice %arg2[%dma_start3A_23, %dma_start3A_24] : memref<10240x64xf32, #tpu.memory_space<hbm>> -> memref<10240x64xf32, #tpu.memory_space<hbm>>
    tpu.enqueue_indirect_dma source(%dma_start3A_25 : memref<10240x64xf32, #tpu.memory_space<hbm>>) target(%arg10 : memref<128x64xf32, #tpu.memory_space<vmem>>) offsets(%dma_start3A_22 : memref<128xi32, #tpu.memory_space<vmem>>) semaphore(%arg15 : memref<!tpu.dma_semaphore, #tpu.memory_space<semaphore_mem>>)
    %dma_start3A_26 = arith.constant 2 : i32
    %dma_start3A_27 = arith.constant 0 : i32
    %dma_start3A_28 = tpu.memref_slice %arg7[%dma_start3A_26, %dma_start3A_27] : memref<80x128xi32, #tpu.memory_space<vmem>> -> memref<1x128xi32, #tpu.memory_space<vmem>>
    %dma_start3A_29 = tpu.memref_squeeze %dma_start3A_28 : memref<1x128xi32, #tpu.memory_space<vmem>> -> memref<128xi32, #tpu.memory_space<vmem>>
    %dma_start3A_30 = arith.constant 0 : i32
    %dma_start3A_31 = arith.constant 0 : i32
    %dma_start3A_32 = tpu.memref_slice %arg2[%dma_start3A_30, %dma_start3A_31] : memref<10240x64xf32, #tpu.memory_space<hbm>> -> memref<10240x64xf32, #tpu.memory_space<hbm>>
    tpu.enqueue_indirect_dma source(%dma_start3A_32 : memref<10240x64xf32, #tpu.memory_space<hbm>>) target(%arg11 : memref<128x64xf32, #tpu.memory_space<vmem>>) offsets(%dma_start3A_29 : memref<128xi32, #tpu.memory_space<vmem>>) semaphore(%arg16 : memref<!tpu.dma_semaphore, #tpu.memory_space<semaphore_mem>>)
    %dma_start3A_33 = arith.constant 3 : i32
    %dma_start3A_34 = arith.constant 0 : i32
    %dma_start3A_35 = tpu.memref_slice %arg7[%dma_start3A_33, %dma_start3A_34] : memref<80x128xi32, #tpu.memory_space<vmem>> -> memref<1x128xi32, #tpu.memory_space<vmem>>
    %dma_start3A_36 = tpu.memref_squeeze %dma_start3A_35 : memref<1x128xi32, #tpu.memory_space<vmem>> -> memref<128xi32, #tpu.memory_space<vmem>>
    %dma_start3A_37 = arith.constant 0 : i32
    %dma_start3A_38 = arith.constant 0 : i32
    %dma_start3A_39 = tpu.memref_slice %arg2[%dma_start3A_37, %dma_start3A_38] : memref<10240x64xf32, #tpu.memory_space<hbm>> -> memref<10240x64xf32, #tpu.memory_space<hbm>>
    tpu.enqueue_indirect_dma source(%dma_start3A_39 : memref<10240x64xf32, #tpu.memory_space<hbm>>) target(%arg12 : memref<128x64xf32, #tpu.memory_space<vmem>>) offsets(%dma_start3A_36 : memref<128xi32, #tpu.memory_space<vmem>>) semaphore(%arg17 : memref<!tpu.dma_semaphore, #tpu.memory_space<semaphore_mem>>)
    %scan3A = arith.constant 0 : i32
    %scan3A_40 = arith.constant 0 : i32
    %scan3A_41 = arith.constant 19 : i32
    %scan3A_42 = arith.addi %scan3A_40, %scan3A_41 : i32
    %scan3A_43 = arith.constant 1 : i32
    %scan3A_44 = scf.for %scan3A_84 = %scan3A_40 to %scan3A_42 step %scan3A_43 iter_args(%scan3A_85 = %scan3A) -> (i32)  : i32 {
      %mul3A_86 = arith.constant 4 : i32
      %mul3A_87 = arith.muli %scan3A_84, %mul3A_86 : i32
      %add3A_88 = arith.constant 0 : i32
      %add3A_89 = arith.addi %mul3A_87, %add3A_88 : i32
      %dma_wait3A_90 = arith.constant 0 : i32
      %dma_wait3A_91 = tpu.memref_slice %arg7[%add3A_89, %dma_wait3A_90] : memref<80x128xi32, #tpu.memory_space<vmem>> -> memref<1x128xi32, #tpu.memory_space<vmem>>
      %dma_wait3A_92 = tpu.memref_squeeze %dma_wait3A_91 : memref<1x128xi32, #tpu.memory_space<vmem>> -> memref<128xi32, #tpu.memory_space<vmem>>
      %dma_wait3A_93 = arith.constant 0 : i32
      %dma_wait3A_94 = arith.constant 0 : i32
      %dma_wait3A_95 = tpu.memref_slice %arg2[%dma_wait3A_93, %dma_wait3A_94] : memref<10240x64xf32, #tpu.memory_space<hbm>> -> memref<10240x64xf32, #tpu.memory_space<hbm>>
      tpu.wait_indirect_dma semaphore(%arg14 : memref<!tpu.dma_semaphore, #tpu.memory_space<semaphore_mem>>) src(%dma_wait3A_95 : memref<10240x64xf32, #tpu.memory_space<hbm>>) dst(%arg9 : memref<128x64xf32, #tpu.memory_space<vmem>>)
      %dma_start3A_96 = arith.constant 0 : i32
      %dma_start3A_97 = tpu.memref_slice %arg8[%add3A_89, %dma_start3A_96] : memref<80x128xi32, #tpu.memory_space<vmem>> -> memref<1x128xi32, #tpu.memory_space<vmem>>
      %dma_start3A_98 = tpu.memref_squeeze %dma_start3A_97 : memref<1x128xi32, #tpu.memory_space<vmem>> -> memref<128xi32, #tpu.memory_space<vmem>>
      %dma_start3A_99 = arith.constant 0 : i32
      %dma_start3A_100 = arith.constant 0 : i32
      %dma_start3A_101 = tpu.memref_slice %arg13[%dma_start3A_99, %dma_start3A_100] : memref<10240x64xf32, #tpu.memory_space<vmem_shared>> -> memref<10240x64xf32, #tpu.memory_space<vmem_shared>>
      tpu.enqueue_indirect_dma source(%arg9 : memref<128x64xf32, #tpu.memory_space<vmem>>) target(%dma_start3A_101 : memref<10240x64xf32, #tpu.memory_space<vmem_shared>>) offsets(%dma_start3A_98 : memref<128xi32, #tpu.memory_space<vmem>>) semaphore(%arg18 : memref<!tpu.dma_semaphore, #tpu.memory_space<semaphore_mem>>) {add = true}
      %mul3A_102 = arith.constant 4 : i32
      %mul3A_103 = arith.muli %scan3A_84, %mul3A_102 : i32
      %add3A_104 = arith.constant 1 : i32
      %add3A_105 = arith.addi %mul3A_103, %add3A_104 : i32
      %dma_wait3A_106 = arith.constant 0 : i32
      %dma_wait3A_107 = tpu.memref_slice %arg7[%add3A_105, %dma_wait3A_106] : memref<80x128xi32, #tpu.memory_space<vmem>> -> memref<1x128xi32, #tpu.memory_space<vmem>>
      %dma_wait3A_108 = tpu.memref_squeeze %dma_wait3A_107 : memref<1x128xi32, #tpu.memory_space<vmem>> -> memref<128xi32, #tpu.memory_space<vmem>>
      %dma_wait3A_109 = arith.constant 0 : i32
      %dma_wait3A_110 = arith.constant 0 : i32
      %dma_wait3A_111 = tpu.memref_slice %arg2[%dma_wait3A_109, %dma_wait3A_110] : memref<10240x64xf32, #tpu.memory_space<hbm>> -> memref<10240x64xf32, #tpu.memory_space<hbm>>
      tpu.wait_indirect_dma semaphore(%arg15 : memref<!tpu.dma_semaphore, #tpu.memory_space<semaphore_mem>>) src(%dma_wait3A_111 : memref<10240x64xf32, #tpu.memory_space<hbm>>) dst(%arg10 : memref<128x64xf32, #tpu.memory_space<vmem>>)
      %dma_start3A_112 = arith.constant 0 : i32
      %dma_start3A_113 = tpu.memref_slice %arg8[%add3A_105, %dma_start3A_112] : memref<80x128xi32, #tpu.memory_space<vmem>> -> memref<1x128xi32, #tpu.memory_space<vmem>>
      %dma_start3A_114 = tpu.memref_squeeze %dma_start3A_113 : memref<1x128xi32, #tpu.memory_space<vmem>> -> memref<128xi32, #tpu.memory_space<vmem>>
      %dma_start3A_115 = arith.constant 0 : i32
      %dma_start3A_116 = arith.constant 0 : i32
      %dma_start3A_117 = tpu.memref_slice %arg13[%dma_start3A_115, %dma_start3A_116] : memref<10240x64xf32, #tpu.memory_space<vmem_shared>> -> memref<10240x64xf32, #tpu.memory_space<vmem_shared>>
      tpu.enqueue_indirect_dma source(%arg10 : memref<128x64xf32, #tpu.memory_space<vmem>>) target(%dma_start3A_117 : memref<10240x64xf32, #tpu.memory_space<vmem_shared>>) offsets(%dma_start3A_114 : memref<128xi32, #tpu.memory_space<vmem>>) semaphore(%arg19 : memref<!tpu.dma_semaphore, #tpu.memory_space<semaphore_mem>>) {add = true}
      %mul3A_118 = arith.constant 4 : i32
      %mul3A_119 = arith.muli %scan3A_84, %mul3A_118 : i32
      %add3A_120 = arith.constant 2 : i32
      %add3A_121 = arith.addi %mul3A_119, %add3A_120 : i32
      %dma_wait3A_122 = arith.constant 0 : i32
      %dma_wait3A_123 = tpu.memref_slice %arg7[%add3A_121, %dma_wait3A_122] : memref<80x128xi32, #tpu.memory_space<vmem>> -> memref<1x128xi32, #tpu.memory_space<vmem>>
      %dma_wait3A_124 = tpu.memref_squeeze %dma_wait3A_123 : memref<1x128xi32, #tpu.memory_space<vmem>> -> memref<128xi32, #tpu.memory_space<vmem>>
      %dma_wait3A_125 = arith.constant 0 : i32
      %dma_wait3A_126 = arith.constant 0 : i32
      %dma_wait3A_127 = tpu.memref_slice %arg2[%dma_wait3A_125, %dma_wait3A_126] : memref<10240x64xf32, #tpu.memory_space<hbm>> -> memref<10240x64xf32, #tpu.memory_space<hbm>>
      tpu.wait_indirect_dma semaphore(%arg16 : memref<!tpu.dma_semaphore, #tpu.memory_space<semaphore_mem>>) src(%dma_wait3A_127 : memref<10240x64xf32, #tpu.memory_space<hbm>>) dst(%arg11 : memref<128x64xf32, #tpu.memory_space<vmem>>)
      %dma_start3A_128 = arith.constant 0 : i32
      %dma_start3A_129 = tpu.memref_slice %arg8[%add3A_121, %dma_start3A_128] : memref<80x128xi32, #tpu.memory_space<vmem>> -> memref<1x128xi32, #tpu.memory_space<vmem>>
      %dma_start3A_130 = tpu.memref_squeeze %dma_start3A_129 : memref<1x128xi32, #tpu.memory_space<vmem>> -> memref<128xi32, #tpu.memory_space<vmem>>
      %dma_start3A_131 = arith.constant 0 : i32
      %dma_start3A_132 = arith.constant 0 : i32
      %dma_start3A_133 = tpu.memref_slice %arg13[%dma_start3A_131, %dma_start3A_132] : memref<10240x64xf32, #tpu.memory_space<vmem_shared>> -> memref<10240x64xf32, #tpu.memory_space<vmem_shared>>
      tpu.enqueue_indirect_dma source(%arg11 : memref<128x64xf32, #tpu.memory_space<vmem>>) target(%dma_start3A_133 : memref<10240x64xf32, #tpu.memory_space<vmem_shared>>) offsets(%dma_start3A_130 : memref<128xi32, #tpu.memory_space<vmem>>) semaphore(%arg20 : memref<!tpu.dma_semaphore, #tpu.memory_space<semaphore_mem>>) {add = true}
      %mul3A_134 = arith.constant 4 : i32
      %mul3A_135 = arith.muli %scan3A_84, %mul3A_134 : i32
      %add3A_136 = arith.constant 3 : i32
      %add3A_137 = arith.addi %mul3A_135, %add3A_136 : i32
      %dma_wait3A_138 = arith.constant 0 : i32
      %dma_wait3A_139 = tpu.memref_slice %arg7[%add3A_137, %dma_wait3A_138] : memref<80x128xi32, #tpu.memory_space<vmem>> -> memref<1x128xi32, #tpu.memory_space<vmem>>
      %dma_wait3A_140 = tpu.memref_squeeze %dma_wait3A_139 : memref<1x128xi32, #tpu.memory_space<vmem>> -> memref<128xi32, #tpu.memory_space<vmem>>
      %dma_wait3A_141 = arith.constant 0 : i32
      %dma_wait3A_142 = arith.constant 0 : i32
      %dma_wait3A_143 = tpu.memref_slice %arg2[%dma_wait3A_141, %dma_wait3A_142] : memref<10240x64xf32, #tpu.memory_space<hbm>> -> memref<10240x64xf32, #tpu.memory_space<hbm>>
      tpu.wait_indirect_dma semaphore(%arg17 : memref<!tpu.dma_semaphore, #tpu.memory_space<semaphore_mem>>) src(%dma_wait3A_143 : memref<10240x64xf32, #tpu.memory_space<hbm>>) dst(%arg12 : memref<128x64xf32, #tpu.memory_space<vmem>>)
      %dma_start3A_144 = arith.constant 0 : i32
      %dma_start3A_145 = tpu.memref_slice %arg8[%add3A_137, %dma_start3A_144] : memref<80x128xi32, #tpu.memory_space<vmem>> -> memref<1x128xi32, #tpu.memory_space<vmem>>
      %dma_start3A_146 = tpu.memref_squeeze %dma_start3A_145 : memref<1x128xi32, #tpu.memory_space<vmem>> -> memref<128xi32, #tpu.memory_space<vmem>>
      %dma_start3A_147 = arith.constant 0 : i32
      %dma_start3A_148 = arith.constant 0 : i32
      %dma_start3A_149 = tpu.memref_slice %arg13[%dma_start3A_147, %dma_start3A_148] : memref<10240x64xf32, #tpu.memory_space<vmem_shared>> -> memref<10240x64xf32, #tpu.memory_space<vmem_shared>>
      tpu.enqueue_indirect_dma source(%arg12 : memref<128x64xf32, #tpu.memory_space<vmem>>) target(%dma_start3A_149 : memref<10240x64xf32, #tpu.memory_space<vmem_shared>>) offsets(%dma_start3A_146 : memref<128xi32, #tpu.memory_space<vmem>>) semaphore(%arg21 : memref<!tpu.dma_semaphore, #tpu.memory_space<semaphore_mem>>) {add = true}
      %mul3A_150 = arith.constant 4 : i32
      %mul3A_151 = arith.muli %scan3A_84, %mul3A_150 : i32
      %add3A_152 = arith.constant 0 : i32
      %add3A_153 = arith.addi %mul3A_151, %add3A_152 : i32
      %dma_wait3A_154 = arith.constant 0 : i32
      %dma_wait3A_155 = tpu.memref_slice %arg8[%add3A_89, %dma_wait3A_154] : memref<80x128xi32, #tpu.memory_space<vmem>> -> memref<1x128xi32, #tpu.memory_space<vmem>>
      %dma_wait3A_156 = tpu.memref_squeeze %dma_wait3A_155 : memref<1x128xi32, #tpu.memory_space<vmem>> -> memref<128xi32, #tpu.memory_space<vmem>>
      %dma_wait3A_157 = arith.constant 0 : i32
      %dma_wait3A_158 = arith.constant 0 : i32
      %dma_wait3A_159 = tpu.memref_slice %arg13[%dma_wait3A_157, %dma_wait3A_158] : memref<10240x64xf32, #tpu.memory_space<vmem_shared>> -> memref<10240x64xf32, #tpu.memory_space<vmem_shared>>
      tpu.wait_indirect_dma semaphore(%arg18 : memref<!tpu.dma_semaphore, #tpu.memory_space<semaphore_mem>>) src(%arg9 : memref<128x64xf32, #tpu.memory_space<vmem>>) dst(%dma_wait3A_159 : memref<10240x64xf32, #tpu.memory_space<vmem_shared>>)
      %add3A_160 = arith.constant 4 : i32
      %add3A_161 = arith.addi %add3A_153, %add3A_160 : i32
      %dma_start3A_162 = arith.constant 0 : i32
      %dma_start3A_163 = tpu.memref_slice %arg7[%add3A_161, %dma_start3A_162] : memref<80x128xi32, #tpu.memory_space<vmem>> -> memref<1x128xi32, #tpu.memory_space<vmem>>
      %dma_start3A_164 = tpu.memref_squeeze %dma_start3A_163 : memref<1x128xi32, #tpu.memory_space<vmem>> -> memref<128xi32, #tpu.memory_space<vmem>>
      %dma_start3A_165 = arith.constant 0 : i32
      %dma_start3A_166 = arith.constant 0 : i32
      %dma_start3A_167 = tpu.memref_slice %arg2[%dma_start3A_165, %dma_start3A_166] : memref<10240x64xf32, #tpu.memory_space<hbm>> -> memref<10240x64xf32, #tpu.memory_space<hbm>>
      tpu.enqueue_indirect_dma source(%dma_start3A_167 : memref<10240x64xf32, #tpu.memory_space<hbm>>) target(%arg9 : memref<128x64xf32, #tpu.memory_space<vmem>>) offsets(%dma_start3A_164 : memref<128xi32, #tpu.memory_space<vmem>>) semaphore(%arg14 : memref<!tpu.dma_semaphore, #tpu.memory_space<semaphore_mem>>)
      %mul3A_168 = arith.constant 4 : i32
      %mul3A_169 = arith.muli %scan3A_84, %mul3A_168 : i32
      %add3A_170 = arith.constant 1 : i32
      %add3A_171 = arith.addi %mul3A_169, %add3A_170 : i32
      %dma_wait3A_172 = arith.constant 0 : i32
      %dma_wait3A_173 = tpu.memref_slice %arg8[%add3A_105, %dma_wait3A_172] : memref<80x128xi32, #tpu.memory_space<vmem>> -> memref<1x128xi32, #tpu.memory_space<vmem>>
      %dma_wait3A_174 = tpu.memref_squeeze %dma_wait3A_173 : memref<1x128xi32, #tpu.memory_space<vmem>> -> memref<128xi32, #tpu.memory_space<vmem>>
      %dma_wait3A_175 = arith.constant 0 : i32
      %dma_wait3A_176 = arith.constant 0 : i32
      %dma_wait3A_177 = tpu.memref_slice %arg13[%dma_wait3A_175, %dma_wait3A_176] : memref<10240x64xf32, #tpu.memory_space<vmem_shared>> -> memref<10240x64xf32, #tpu.memory_space<vmem_shared>>
      tpu.wait_indirect_dma semaphore(%arg19 : memref<!tpu.dma_semaphore, #tpu.memory_space<semaphore_mem>>) src(%arg10 : memref<128x64xf32, #tpu.memory_space<vmem>>) dst(%dma_wait3A_177 : memref<10240x64xf32, #tpu.memory_space<vmem_shared>>)
      %add3A_178 = arith.constant 4 : i32
      %add3A_179 = arith.addi %add3A_171, %add3A_178 : i32
      %dma_start3A_180 = arith.constant 0 : i32
      %dma_start3A_181 = tpu.memref_slice %arg7[%add3A_179, %dma_start3A_180] : memref<80x128xi32, #tpu.memory_space<vmem>> -> memref<1x128xi32, #tpu.memory_space<vmem>>
      %dma_start3A_182 = tpu.memref_squeeze %dma_start3A_181 : memref<1x128xi32, #tpu.memory_space<vmem>> -> memref<128xi32, #tpu.memory_space<vmem>>
      %dma_start3A_183 = arith.constant 0 : i32
      %dma_start3A_184 = arith.constant 0 : i32
      %dma_start3A_185 = tpu.memref_slice %arg2[%dma_start3A_183, %dma_start3A_184] : memref<10240x64xf32, #tpu.memory_space<hbm>> -> memref<10240x64xf32, #tpu.memory_space<hbm>>
      tpu.enqueue_indirect_dma source(%dma_start3A_185 : memref<10240x64xf32, #tpu.memory_space<hbm>>) target(%arg10 : memref<128x64xf32, #tpu.memory_space<vmem>>) offsets(%dma_start3A_182 : memref<128xi32, #tpu.memory_space<vmem>>) semaphore(%arg15 : memref<!tpu.dma_semaphore, #tpu.memory_space<semaphore_mem>>)
      %mul3A_186 = arith.constant 4 : i32
      %mul3A_187 = arith.muli %scan3A_84, %mul3A_186 : i32
      %add3A_188 = arith.constant 2 : i32
      %add3A_189 = arith.addi %mul3A_187, %add3A_188 : i32
      %dma_wait3A_190 = arith.constant 0 : i32
      %dma_wait3A_191 = tpu.memref_slice %arg8[%add3A_121, %dma_wait3A_190] : memref<80x128xi32, #tpu.memory_space<vmem>> -> memref<1x128xi32, #tpu.memory_space<vmem>>
      %dma_wait3A_192 = tpu.memref_squeeze %dma_wait3A_191 : memref<1x128xi32, #tpu.memory_space<vmem>> -> memref<128xi32, #tpu.memory_space<vmem>>
      %dma_wait3A_193 = arith.constant 0 : i32
      %dma_wait3A_194 = arith.constant 0 : i32
      %dma_wait3A_195 = tpu.memref_slice %arg13[%dma_wait3A_193, %dma_wait3A_194] : memref<10240x64xf32, #tpu.memory_space<vmem_shared>> -> memref<10240x64xf32, #tpu.memory_space<vmem_shared>>
      tpu.wait_indirect_dma semaphore(%arg20 : memref<!tpu.dma_semaphore, #tpu.memory_space<semaphore_mem>>) src(%arg11 : memref<128x64xf32, #tpu.memory_space<vmem>>) dst(%dma_wait3A_195 : memref<10240x64xf32, #tpu.memory_space<vmem_shared>>)
      %add3A_196 = arith.constant 4 : i32
      %add3A_197 = arith.addi %add3A_189, %add3A_196 : i32
      %dma_start3A_198 = arith.constant 0 : i32
      %dma_start3A_199 = tpu.memref_slice %arg7[%add3A_197, %dma_start3A_198] : memref<80x128xi32, #tpu.memory_space<vmem>> -> memref<1x128xi32, #tpu.memory_space<vmem>>
      %dma_start3A_200 = tpu.memref_squeeze %dma_start3A_199 : memref<1x128xi32, #tpu.memory_space<vmem>> -> memref<128xi32, #tpu.memory_space<vmem>>
      %dma_start3A_201 = arith.constant 0 : i32
      %dma_start3A_202 = arith.constant 0 : i32
      %dma_start3A_203 = tpu.memref_slice %arg2[%dma_start3A_201, %dma_start3A_202] : memref<10240x64xf32, #tpu.memory_space<hbm>> -> memref<10240x64xf32, #tpu.memory_space<hbm>>
      tpu.enqueue_indirect_dma source(%dma_start3A_203 : memref<10240x64xf32, #tpu.memory_space<hbm>>) target(%arg11 : memref<128x64xf32, #tpu.memory_space<vmem>>) offsets(%dma_start3A_200 : memref<128xi32, #tpu.memory_space<vmem>>) semaphore(%arg16 : memref<!tpu.dma_semaphore, #tpu.memory_space<semaphore_mem>>)
      %mul3A_204 = arith.constant 4 : i32
      %mul3A_205 = arith.muli %scan3A_84, %mul3A_204 : i32
      %add3A_206 = arith.constant 3 : i32
      %add3A_207 = arith.addi %mul3A_205, %add3A_206 : i32
      %dma_wait3A_208 = arith.constant 0 : i32
      %dma_wait3A_209 = tpu.memref_slice %arg8[%add3A_137, %dma_wait3A_208] : memref<80x128xi32, #tpu.memory_space<vmem>> -> memref<1x128xi32, #tpu.memory_space<vmem>>
      %dma_wait3A_210 = tpu.memref_squeeze %dma_wait3A_209 : memref<1x128xi32, #tpu.memory_space<vmem>> -> memref<128xi32, #tpu.memory_space<vmem>>
      %dma_wait3A_211 = arith.constant 0 : i32
      %dma_wait3A_212 = arith.constant 0 : i32
      %dma_wait3A_213 = tpu.memref_slice %arg13[%dma_wait3A_211, %dma_wait3A_212] : memref<10240x64xf32, #tpu.memory_space<vmem_shared>> -> memref<10240x64xf32, #tpu.memory_space<vmem_shared>>
      tpu.wait_indirect_dma semaphore(%arg21 : memref<!tpu.dma_semaphore, #tpu.memory_space<semaphore_mem>>) src(%arg12 : memref<128x64xf32, #tpu.memory_space<vmem>>) dst(%dma_wait3A_213 : memref<10240x64xf32, #tpu.memory_space<vmem_shared>>)
      %add3A_214 = arith.constant 4 : i32
      %add3A_215 = arith.addi %add3A_207, %add3A_214 : i32
      %dma_start3A_216 = arith.constant 0 : i32
      %dma_start3A_217 = tpu.memref_slice %arg7[%add3A_215, %dma_start3A_216] : memref<80x128xi32, #tpu.memory_space<vmem>> -> memref<1x128xi32, #tpu.memory_space<vmem>>
      %dma_start3A_218 = tpu.memref_squeeze %dma_start3A_217 : memref<1x128xi32, #tpu.memory_space<vmem>> -> memref<128xi32, #tpu.memory_space<vmem>>
      %dma_start3A_219 = arith.constant 0 : i32
      %dma_start3A_220 = arith.constant 0 : i32
      %dma_start3A_221 = tpu.memref_slice %arg2[%dma_start3A_219, %dma_start3A_220] : memref<10240x64xf32, #tpu.memory_space<hbm>> -> memref<10240x64xf32, #tpu.memory_space<hbm>>
      tpu.enqueue_indirect_dma source(%dma_start3A_221 : memref<10240x64xf32, #tpu.memory_space<hbm>>) target(%arg12 : memref<128x64xf32, #tpu.memory_space<vmem>>) offsets(%dma_start3A_218 : memref<128xi32, #tpu.memory_space<vmem>>) semaphore(%arg17 : memref<!tpu.dma_semaphore, #tpu.memory_space<semaphore_mem>>)
      %scan3A_222 = arith.constant 0 : i32
      scf.yield %scan3A_222 : i32
    }
    %scan3A_45 = arith.constant 19 : i32
    %dma_wait3A = arith.constant 76 : i32
    %dma_wait3A_46 = arith.constant 0 : i32
    %dma_wait3A_47 = tpu.memref_slice %arg7[%dma_wait3A, %dma_wait3A_46] : memref<80x128xi32, #tpu.memory_space<vmem>> -> memref<1x128xi32, #tpu.memory_space<vmem>>
    %dma_wait3A_48 = tpu.memref_squeeze %dma_wait3A_47 : memref<1x128xi32, #tpu.memory_space<vmem>> -> memref<128xi32, #tpu.memory_space<vmem>>
    %dma_wait3A_49 = arith.constant 0 : i32
    %dma_wait3A_50 = arith.constant 0 : i32
    %dma_wait3A_51 = tpu.memref_slice %arg2[%dma_wait3A_49, %dma_wait3A_50] : memref<10240x64xf32, #tpu.memory_space<hbm>> -> memref<10240x64xf32, #tpu.memory_space<hbm>>
    tpu.wait_indirect_dma semaphore(%arg14 : memref<!tpu.dma_semaphore, #tpu.memory_space<semaphore_mem>>) src(%dma_wait3A_51 : memref<10240x64xf32, #tpu.memory_space<hbm>>) dst(%arg9 : memref<128x64xf32, #tpu.memory_space<vmem>>)
    %run_scoped3A = arith.constant 76 : i32
    "tpu.region"() ({
      %run_scoped3A_84 = tpu.sem_alloc : memref<!tpu.dma_semaphore, #tpu.memory_space<semaphore_mem>>
      %dma_start3A_85 = arith.constant 0 : i32
      %dma_start3A_86 = tpu.memref_slice %arg8[%run_scoped3A, %dma_start3A_85] : memref<80x128xi32, #tpu.memory_space<vmem>> -> memref<1x128xi32, #tpu.memory_space<vmem>>
      %dma_start3A_87 = tpu.memref_squeeze %dma_start3A_86 : memref<1x128xi32, #tpu.memory_space<vmem>> -> memref<128xi32, #tpu.memory_space<vmem>>
      %dma_start3A_88 = arith.constant 0 : i32
      %dma_start3A_89 = arith.constant 0 : i32
      %dma_start3A_90 = tpu.memref_slice %arg13[%dma_start3A_88, %dma_start3A_89] : memref<10240x64xf32, #tpu.memory_space<vmem_shared>> -> memref<10240x64xf32, #tpu.memory_space<vmem_shared>>
      tpu.enqueue_indirect_dma source(%arg9 : memref<128x64xf32, #tpu.memory_space<vmem>>) target(%dma_start3A_90 : memref<10240x64xf32, #tpu.memory_space<vmem_shared>>) offsets(%dma_start3A_87 : memref<128xi32, #tpu.memory_space<vmem>>) semaphore(%run_scoped3A_84 : memref<!tpu.dma_semaphore, #tpu.memory_space<semaphore_mem>>) {add = true}
      %dma_wait3A_91 = arith.constant 0 : i32
      %dma_wait3A_92 = tpu.memref_slice %arg8[%run_scoped3A, %dma_wait3A_91] : memref<80x128xi32, #tpu.memory_space<vmem>> -> memref<1x128xi32, #tpu.memory_space<vmem>>
      %dma_wait3A_93 = tpu.memref_squeeze %dma_wait3A_92 : memref<1x128xi32, #tpu.memory_space<vmem>> -> memref<128xi32, #tpu.memory_space<vmem>>
      %dma_wait3A_94 = arith.constant 0 : i32
      %dma_wait3A_95 = arith.constant 0 : i32
      %dma_wait3A_96 = tpu.memref_slice %arg13[%dma_wait3A_94, %dma_wait3A_95] : memref<10240x64xf32, #tpu.memory_space<vmem_shared>> -> memref<10240x64xf32, #tpu.memory_space<vmem_shared>>
      tpu.wait_indirect_dma semaphore(%run_scoped3A_84 : memref<!tpu.dma_semaphore, #tpu.memory_space<semaphore_mem>>) src(%arg9 : memref<128x64xf32, #tpu.memory_space<vmem>>) dst(%dma_wait3A_96 : memref<10240x64xf32, #tpu.memory_space<vmem_shared>>)
      tpu.yield
    }) : () -> ()
    %dma_wait3A_52 = arith.constant 77 : i32
    %dma_wait3A_53 = arith.constant 0 : i32
    %dma_wait3A_54 = tpu.memref_slice %arg7[%dma_wait3A_52, %dma_wait3A_53] : memref<80x128xi32, #tpu.memory_space<vmem>> -> memref<1x128xi32, #tpu.memory_space<vmem>>
    %dma_wait3A_55 = tpu.memref_squeeze %dma_wait3A_54 : memref<1x128xi32, #tpu.memory_space<vmem>> -> memref<128xi32, #tpu.memory_space<vmem>>
    %dma_wait3A_56 = arith.constant 0 : i32
    %dma_wait3A_57 = arith.constant 0 : i32
    %dma_wait3A_58 = tpu.memref_slice %arg2[%dma_wait3A_56, %dma_wait3A_57] : memref<10240x64xf32, #tpu.memory_space<hbm>> -> memref<10240x64xf32, #tpu.memory_space<hbm>>
    tpu.wait_indirect_dma semaphore(%arg15 : memref<!tpu.dma_semaphore, #tpu.memory_space<semaphore_mem>>) src(%dma_wait3A_58 : memref<10240x64xf32, #tpu.memory_space<hbm>>) dst(%arg10 : memref<128x64xf32, #tpu.memory_space<vmem>>)
    %run_scoped3A_59 = arith.constant 77 : i32
    "tpu.region"() ({
      %run_scoped3A_84 = tpu.sem_alloc : memref<!tpu.dma_semaphore, #tpu.memory_space<semaphore_mem>>
      %dma_start3A_85 = arith.constant 0 : i32
      %dma_start3A_86 = tpu.memref_slice %arg8[%run_scoped3A_59, %dma_start3A_85] : memref<80x128xi32, #tpu.memory_space<vmem>> -> memref<1x128xi32, #tpu.memory_space<vmem>>
      %dma_start3A_87 = tpu.memref_squeeze %dma_start3A_86 : memref<1x128xi32, #tpu.memory_space<vmem>> -> memref<128xi32, #tpu.memory_space<vmem>>
      %dma_start3A_88 = arith.constant 0 : i32
      %dma_start3A_89 = arith.constant 0 : i32
      %dma_start3A_90 = tpu.memref_slice %arg13[%dma_start3A_88, %dma_start3A_89] : memref<10240x64xf32, #tpu.memory_space<vmem_shared>> -> memref<10240x64xf32, #tpu.memory_space<vmem_shared>>
      tpu.enqueue_indirect_dma source(%arg10 : memref<128x64xf32, #tpu.memory_space<vmem>>) target(%dma_start3A_90 : memref<10240x64xf32, #tpu.memory_space<vmem_shared>>) offsets(%dma_start3A_87 : memref<128xi32, #tpu.memory_space<vmem>>) semaphore(%run_scoped3A_84 : memref<!tpu.dma_semaphore, #tpu.memory_space<semaphore_mem>>) {add = true}
      %dma_wait3A_91 = arith.constant 0 : i32
      %dma_wait3A_92 = tpu.memref_slice %arg8[%run_scoped3A_59, %dma_wait3A_91] : memref<80x128xi32, #tpu.memory_space<vmem>> -> memref<1x128xi32, #tpu.memory_space<vmem>>
      %dma_wait3A_93 = tpu.memref_squeeze %dma_wait3A_92 : memref<1x128xi32, #tpu.memory_space<vmem>> -> memref<128xi32, #tpu.memory_space<vmem>>
      %dma_wait3A_94 = arith.constant 0 : i32
      %dma_wait3A_95 = arith.constant 0 : i32
      %dma_wait3A_96 = tpu.memref_slice %arg13[%dma_wait3A_94, %dma_wait3A_95] : memref<10240x64xf32, #tpu.memory_space<vmem_shared>> -> memref<10240x64xf32, #tpu.memory_space<vmem_shared>>
      tpu.wait_indirect_dma semaphore(%run_scoped3A_84 : memref<!tpu.dma_semaphore, #tpu.memory_space<semaphore_mem>>) src(%arg10 : memref<128x64xf32, #tpu.memory_space<vmem>>) dst(%dma_wait3A_96 : memref<10240x64xf32, #tpu.memory_space<vmem_shared>>)
      tpu.yield
    }) : () -> ()
    %dma_wait3A_60 = arith.constant 78 : i32
    %dma_wait3A_61 = arith.constant 0 : i32
    %dma_wait3A_62 = tpu.memref_slice %arg7[%dma_wait3A_60, %dma_wait3A_61] : memref<80x128xi32, #tpu.memory_space<vmem>> -> memref<1x128xi32, #tpu.memory_space<vmem>>
    %dma_wait3A_63 = tpu.memref_squeeze %dma_wait3A_62 : memref<1x128xi32, #tpu.memory_space<vmem>> -> memref<128xi32, #tpu.memory_space<vmem>>
    %dma_wait3A_64 = arith.constant 0 : i32
    %dma_wait3A_65 = arith.constant 0 : i32
    %dma_wait3A_66 = tpu.memref_slice %arg2[%dma_wait3A_64, %dma_wait3A_65] : memref<10240x64xf32, #tpu.memory_space<hbm>> -> memref<10240x64xf32, #tpu.memory_space<hbm>>
    tpu.wait_indirect_dma semaphore(%arg16 : memref<!tpu.dma_semaphore, #tpu.memory_space<semaphore_mem>>) src(%dma_wait3A_66 : memref<10240x64xf32, #tpu.memory_space<hbm>>) dst(%arg11 : memref<128x64xf32, #tpu.memory_space<vmem>>)
    %run_scoped3A_67 = arith.constant 78 : i32
    "tpu.region"() ({
      %run_scoped3A_84 = tpu.sem_alloc : memref<!tpu.dma_semaphore, #tpu.memory_space<semaphore_mem>>
      %dma_start3A_85 = arith.constant 0 : i32
      %dma_start3A_86 = tpu.memref_slice %arg8[%run_scoped3A_67, %dma_start3A_85] : memref<80x128xi32, #tpu.memory_space<vmem>> -> memref<1x128xi32, #tpu.memory_space<vmem>>
      %dma_start3A_87 = tpu.memref_squeeze %dma_start3A_86 : memref<1x128xi32, #tpu.memory_space<vmem>> -> memref<128xi32, #tpu.memory_space<vmem>>
      %dma_start3A_88 = arith.constant 0 : i32
      %dma_start3A_89 = arith.constant 0 : i32
      %dma_start3A_90 = tpu.memref_slice %arg13[%dma_start3A_88, %dma_start3A_89] : memref<10240x64xf32, #tpu.memory_space<vmem_shared>> -> memref<10240x64xf32, #tpu.memory_space<vmem_shared>>
      tpu.enqueue_indirect_dma source(%arg11 : memref<128x64xf32, #tpu.memory_space<vmem>>) target(%dma_start3A_90 : memref<10240x64xf32, #tpu.memory_space<vmem_shared>>) offsets(%dma_start3A_87 : memref<128xi32, #tpu.memory_space<vmem>>) semaphore(%run_scoped3A_84 : memref<!tpu.dma_semaphore, #tpu.memory_space<semaphore_mem>>) {add = true}
      %dma_wait3A_91 = arith.constant 0 : i32
      %dma_wait3A_92 = tpu.memref_slice %arg8[%run_scoped3A_67, %dma_wait3A_91] : memref<80x128xi32, #tpu.memory_space<vmem>> -> memref<1x128xi32, #tpu.memory_space<vmem>>
      %dma_wait3A_93 = tpu.memref_squeeze %dma_wait3A_92 : memref<1x128xi32, #tpu.memory_space<vmem>> -> memref<128xi32, #tpu.memory_space<vmem>>
      %dma_wait3A_94 = arith.constant 0 : i32
      %dma_wait3A_95 = arith.constant 0 : i32
      %dma_wait3A_96 = tpu.memref_slice %arg13[%dma_wait3A_94, %dma_wait3A_95] : memref<10240x64xf32, #tpu.memory_space<vmem_shared>> -> memref<10240x64xf32, #tpu.memory_space<vmem_shared>>
      tpu.wait_indirect_dma semaphore(%run_scoped3A_84 : memref<!tpu.dma_semaphore, #tpu.memory_space<semaphore_mem>>) src(%arg11 : memref<128x64xf32, #tpu.memory_space<vmem>>) dst(%dma_wait3A_96 : memref<10240x64xf32, #tpu.memory_space<vmem_shared>>)
      tpu.yield
    }) : () -> ()
    %dma_wait3A_68 = arith.constant 79 : i32
    %dma_wait3A_69 = arith.constant 0 : i32
    %dma_wait3A_70 = tpu.memref_slice %arg7[%dma_wait3A_68, %dma_wait3A_69] : memref<80x128xi32, #tpu.memory_space<vmem>> -> memref<1x128xi32, #tpu.memory_space<vmem>>
    %dma_wait3A_71 = tpu.memref_squeeze %dma_wait3A_70 : memref<1x128xi32, #tpu.memory_space<vmem>> -> memref<128xi32, #tpu.memory_space<vmem>>
    %dma_wait3A_72 = arith.constant 0 : i32
    %dma_wait3A_73 = arith.constant 0 : i32
    %dma_wait3A_74 = tpu.memref_slice %arg2[%dma_wait3A_72, %dma_wait3A_73] : memref<10240x64xf32, #tpu.memory_space<hbm>> -> memref<10240x64xf32, #tpu.memory_space<hbm>>
    tpu.wait_indirect_dma semaphore(%arg17 : memref<!tpu.dma_semaphore, #tpu.memory_space<semaphore_mem>>) src(%dma_wait3A_74 : memref<10240x64xf32, #tpu.memory_space<hbm>>) dst(%arg12 : memref<128x64xf32, #tpu.memory_space<vmem>>)
    %run_scoped3A_75 = arith.constant 79 : i32
    "tpu.region"() ({
      %run_scoped3A_84 = tpu.sem_alloc : memref<!tpu.dma_semaphore, #tpu.memory_space<semaphore_mem>>
      %dma_start3A_85 = arith.constant 0 : i32
      %dma_start3A_86 = tpu.memref_slice %arg8[%run_scoped3A_75, %dma_start3A_85] : memref<80x128xi32, #tpu.memory_space<vmem>> -> memref<1x128xi32, #tpu.memory_space<vmem>>
      %dma_start3A_87 = tpu.memref_squeeze %dma_start3A_86 : memref<1x128xi32, #tpu.memory_space<vmem>> -> memref<128xi32, #tpu.memory_space<vmem>>
      %dma_start3A_88 = arith.constant 0 : i32
      %dma_start3A_89 = arith.constant 0 : i32
      %dma_start3A_90 = tpu.memref_slice %arg13[%dma_start3A_88, %dma_start3A_89] : memref<10240x64xf32, #tpu.memory_space<vmem_shared>> -> memref<10240x64xf32, #tpu.memory_space<vmem_shared>>
      tpu.enqueue_indirect_dma source(%arg12 : memref<128x64xf32, #tpu.memory_space<vmem>>) target(%dma_start3A_90 : memref<10240x64xf32, #tpu.memory_space<vmem_shared>>) offsets(%dma_start3A_87 : memref<128xi32, #tpu.memory_space<vmem>>) semaphore(%run_scoped3A_84 : memref<!tpu.dma_semaphore, #tpu.memory_space<semaphore_mem>>) {add = true}
      %dma_wait3A_91 = arith.constant 0 : i32
      %dma_wait3A_92 = tpu.memref_slice %arg8[%run_scoped3A_75, %dma_wait3A_91] : memref<80x128xi32, #tpu.memory_space<vmem>> -> memref<1x128xi32, #tpu.memory_space<vmem>>
      %dma_wait3A_93 = tpu.memref_squeeze %dma_wait3A_92 : memref<1x128xi32, #tpu.memory_space<vmem>> -> memref<128xi32, #tpu.memory_space<vmem>>
      %dma_wait3A_94 = arith.constant 0 : i32
      %dma_wait3A_95 = arith.constant 0 : i32
      %dma_wait3A_96 = tpu.memref_slice %arg13[%dma_wait3A_94, %dma_wait3A_95] : memref<10240x64xf32, #tpu.memory_space<vmem_shared>> -> memref<10240x64xf32, #tpu.memory_space<vmem_shared>>
      tpu.wait_indirect_dma semaphore(%run_scoped3A_84 : memref<!tpu.dma_semaphore, #tpu.memory_space<semaphore_mem>>) src(%arg12 : memref<128x64xf32, #tpu.memory_space<vmem>>) dst(%dma_wait3A_96 : memref<10240x64xf32, #tpu.memory_space<vmem_shared>>)
      tpu.yield
    }) : () -> ()
    %barrier3A_76 = arith.constant 0 : index
    tpu.barrier barrier_id(%barrier3A_76)
    %mul3A_77 = arith.constant 640 : i32
    %mul3A_78 = arith.muli %arg1, %mul3A_77 : i32
    %mul3A_79 = arith.constant 10240 : i32
    %mul3A_80 = arith.muli %arg0, %mul3A_79 : i32
    %mul3A_81 = arith.constant 640 : i32
    %mul3A_82 = arith.muli %arg1, %mul3A_81 : i32
    %add3A_83 = arith.addi %mul3A_80, %mul3A_82 : i32
    "tpu.region"() ({
      %run_scoped3A_84 = tpu.sem_alloc : memref<!tpu.dma_semaphore, #tpu.memory_space<semaphore_mem>>
      %dma_start3A_85 = arith.constant 0 : i32
      %dma_start3A_86 = tpu.memref_slice %arg6[%add3A_83, %dma_start3A_85] : memref<20480x64xf32, #tpu.memory_space<hbm>> -> memref<640x64xf32, #tpu.memory_space<hbm>>
      %dma_start3A_87 = arith.constant 0 : i32
      %dma_start3A_88 = tpu.memref_slice %arg13[%mul3A_78, %dma_start3A_87] : memref<10240x64xf32, #tpu.memory_space<vmem_shared>> -> memref<640x64xf32, #tpu.memory_space<vmem_shared>>
      tpu.enqueue_dma source(%dma_start3A_88 : memref<640x64xf32, #tpu.memory_space<vmem_shared>>) target(%dma_start3A_86 : memref<640x64xf32, #tpu.memory_space<hbm>>) target_semaphore(%run_scoped3A_84 : memref<!tpu.dma_semaphore, #tpu.memory_space<semaphore_mem>>)
      %dma_wait3A_89 = arith.constant 0 : i32
      %dma_wait3A_90 = tpu.memref_slice %arg6[%add3A_83, %dma_wait3A_89] : memref<20480x64xf32, #tpu.memory_space<hbm>> -> memref<640x64xf32, #tpu.memory_space<hbm>>
      %dma_wait3A_91 = arith.constant 0 : i32
      %dma_wait3A_92 = tpu.memref_slice %arg13[%mul3A_78, %dma_wait3A_91] : memref<10240x64xf32, #tpu.memory_space<vmem_shared>> -> memref<640x64xf32, #tpu.memory_space<vmem_shared>>
      tpu.wait_dma2 semaphore(%run_scoped3A_84 : memref<!tpu.dma_semaphore, #tpu.memory_space<semaphore_mem>>) src(%dma_wait3A_92 : memref<640x64xf32, #tpu.memory_space<vmem_shared>>) dst(%dma_wait3A_90 : memref<640x64xf32, #tpu.memory_space<hbm>>)
      tpu.yield
    }) : () -> ()
    return
  }
}

#map = affine_map<(d0, d1) -> (0, 0, 0)>
#map1 = affine_map<(d0, d1) -> (0, 0)>
module attributes {stable_mosaic.version = 14 : i64} {
  func.func @k(%arg0: i32, %arg1: i32, %arg2: memref<32x80x128xi32, #tpu.memory_space<hbm>>, %arg3: memref<10240x16xf32, #tpu.memory_space<hbm>>, %arg4: memref<128x16xf32, #tpu.memory_space<hbm>>, %arg5: memref<20480x16xf32, #tpu.memory_space<hbm>>, %arg6: memref<80x128xi32, #tpu.memory_space<vmem>>, %arg7: memref<128x16xf32, #tpu.memory_space<vmem>>, %arg8: memref<10240x16xf32, #tpu.memory_space<vmem_shared>>) attributes {dimension_semantics = [#tpu.dimension_semantics<core_parallel>, #tpu.dimension_semantics<subcore_parallel>], iteration_bounds = array<i64: 2, 16>, scalar_prefetch = 0 : i64, scratch_operands = 3 : i64, tpu.core_type = #tpu.core_type<sc_vector_subcore>, window_params = [{transform_indices = #map}, {transform_indices = #map1}, {transform_indices = #map1}, {transform_indices = #map1}]} {
    %mul3A = arith.constant 2 : i32
    %mul3A_0 = arith.muli %arg1, %mul3A : i32
    %add3A = arith.addi %mul3A_0, %arg0 : i32
    %mul3A_1 = arith.constant 640 : i32
    %mul3A_2 = arith.muli %arg1, %mul3A_1 : i32
    %mul3A_3 = arith.constant 640 : i32
    %mul3A_4 = arith.muli %arg1, %mul3A_3 : i32
    "tpu.region"() ({
      %run_scoped3A = tpu.sem_alloc : memref<!tpu.dma_semaphore, #tpu.memory_space<semaphore_mem>>
      %dma_start3A = arith.constant 0 : i32
      %dma_start3A_19 = tpu.memref_slice %arg8[%mul3A_4, %dma_start3A] : memref<10240x16xf32, #tpu.memory_space<vmem_shared>> -> memref<640x16xf32, #tpu.memory_space<vmem_shared>>
      %dma_start3A_20 = arith.constant 0 : i32
      %dma_start3A_21 = tpu.memref_slice %arg3[%mul3A_2, %dma_start3A_20] : memref<10240x16xf32, #tpu.memory_space<hbm>> -> memref<640x16xf32, #tpu.memory_space<hbm>>
      tpu.enqueue_dma source(%dma_start3A_21 : memref<640x16xf32, #tpu.memory_space<hbm>>) target(%dma_start3A_19 : memref<640x16xf32, #tpu.memory_space<vmem_shared>>) target_semaphore(%run_scoped3A : memref<!tpu.dma_semaphore, #tpu.memory_space<semaphore_mem>>)
      %dma_wait3A = arith.constant 0 : i32
      %dma_wait3A_22 = tpu.memref_slice %arg8[%mul3A_4, %dma_wait3A] : memref<10240x16xf32, #tpu.memory_space<vmem_shared>> -> memref<640x16xf32, #tpu.memory_space<vmem_shared>>
      %dma_wait3A_23 = arith.constant 0 : i32
      %dma_wait3A_24 = tpu.memref_slice %arg3[%mul3A_2, %dma_wait3A_23] : memref<10240x16xf32, #tpu.memory_space<hbm>> -> memref<640x16xf32, #tpu.memory_space<hbm>>
      tpu.wait_dma2 semaphore(%run_scoped3A : memref<!tpu.dma_semaphore, #tpu.memory_space<semaphore_mem>>) src(%dma_wait3A_24 : memref<640x16xf32, #tpu.memory_space<hbm>>) dst(%dma_wait3A_22 : memref<640x16xf32, #tpu.memory_space<vmem_shared>>)
      tpu.yield
    }) : () -> ()
    "tpu.region"() ({
      %run_scoped3A = tpu.sem_alloc : memref<!tpu.dma_semaphore, #tpu.memory_space<semaphore_mem>>
      %dma_start3A = arith.constant 0 : i32
      %dma_start3A_19 = arith.constant 0 : i32
      %dma_start3A_20 = tpu.memref_slice %arg2[%add3A, %dma_start3A, %dma_start3A_19] : memref<32x80x128xi32, #tpu.memory_space<hbm>> -> memref<1x80x128xi32, #tpu.memory_space<hbm>>
      %dma_start3A_21 = tpu.memref_squeeze %dma_start3A_20 : memref<1x80x128xi32, #tpu.memory_space<hbm>> -> memref<80x128xi32, #tpu.memory_space<hbm>>
      %dma_start3A_22 = arith.constant 0 : i32
      %dma_start3A_23 = arith.constant 0 : i32
      %dma_start3A_24 = tpu.memref_slice %arg2[%add3A, %dma_start3A_22, %dma_start3A_23] : memref<32x80x128xi32, #tpu.memory_space<hbm>> -> memref<1x80x128xi32, #tpu.memory_space<hbm>>
      %dma_start3A_25 = tpu.memref_squeeze %dma_start3A_24 : memref<1x80x128xi32, #tpu.memory_space<hbm>> -> memref<80x128xi32, #tpu.memory_space<hbm>>
      tpu.enqueue_dma source(%dma_start3A_25 : memref<80x128xi32, #tpu.memory_space<hbm>>) target(%arg6 : memref<80x128xi32, #tpu.memory_space<vmem>>) target_semaphore(%run_scoped3A : memref<!tpu.dma_semaphore, #tpu.memory_space<semaphore_mem>>)
      %dma_wait3A = arith.constant 0 : i32
      %dma_wait3A_26 = arith.constant 0 : i32
      %dma_wait3A_27 = tpu.memref_slice %arg2[%add3A, %dma_wait3A, %dma_wait3A_26] : memref<32x80x128xi32, #tpu.memory_space<hbm>> -> memref<1x80x128xi32, #tpu.memory_space<hbm>>
      %dma_wait3A_28 = tpu.memref_squeeze %dma_wait3A_27 : memref<1x80x128xi32, #tpu.memory_space<hbm>> -> memref<80x128xi32, #tpu.memory_space<hbm>>
      %dma_wait3A_29 = arith.constant 0 : i32
      %dma_wait3A_30 = arith.constant 0 : i32
      %dma_wait3A_31 = tpu.memref_slice %arg2[%add3A, %dma_wait3A_29, %dma_wait3A_30] : memref<32x80x128xi32, #tpu.memory_space<hbm>> -> memref<1x80x128xi32, #tpu.memory_space<hbm>>
      %dma_wait3A_32 = tpu.memref_squeeze %dma_wait3A_31 : memref<1x80x128xi32, #tpu.memory_space<hbm>> -> memref<80x128xi32, #tpu.memory_space<hbm>>
      tpu.wait_dma2 semaphore(%run_scoped3A : memref<!tpu.dma_semaphore, #tpu.memory_space<semaphore_mem>>) src(%dma_wait3A_32 : memref<80x128xi32, #tpu.memory_space<hbm>>) dst(%arg6 : memref<80x128xi32, #tpu.memory_space<vmem>>)
      tpu.yield
    }) : () -> ()
    "tpu.region"() ({
      %run_scoped3A = tpu.sem_alloc : memref<!tpu.dma_semaphore, #tpu.memory_space<semaphore_mem>>
      tpu.enqueue_dma source(%arg4 : memref<128x16xf32, #tpu.memory_space<hbm>>) target(%arg7 : memref<128x16xf32, #tpu.memory_space<vmem>>) target_semaphore(%run_scoped3A : memref<!tpu.dma_semaphore, #tpu.memory_space<semaphore_mem>>)
      tpu.wait_dma2 semaphore(%run_scoped3A : memref<!tpu.dma_semaphore, #tpu.memory_space<semaphore_mem>>) src(%arg4 : memref<128x16xf32, #tpu.memory_space<hbm>>) dst(%arg7 : memref<128x16xf32, #tpu.memory_space<vmem>>)
      tpu.yield
    }) : () -> ()
    %barrier3A = arith.constant 0 : index
    tpu.barrier barrier_id(%barrier3A)
    %scan3A = arith.constant 0 : i32
    %scan3A_5 = arith.constant 0 : i32
    %scan3A_6 = arith.constant 80 : i32
    %scan3A_7 = arith.addi %scan3A_5, %scan3A_6 : i32
    %scan3A_8 = arith.constant 1 : i32
    %scan3A_9 = scf.for %scan3A_19 = %scan3A_5 to %scan3A_7 step %scan3A_8 iter_args(%scan3A_20 = %scan3A) -> (i32)  : i32 {
      "tpu.region"() ({
        %run_scoped3A = tpu.sem_alloc : memref<!tpu.dma_semaphore, #tpu.memory_space<semaphore_mem>>
        %dma_start3A = arith.constant 0 : i32
        %dma_start3A_22 = tpu.memref_slice %arg6[%scan3A_19, %dma_start3A] : memref<80x128xi32, #tpu.memory_space<vmem>> -> memref<1x128xi32, #tpu.memory_space<vmem>>
        %dma_start3A_23 = tpu.memref_squeeze %dma_start3A_22 : memref<1x128xi32, #tpu.memory_space<vmem>> -> memref<128xi32, #tpu.memory_space<vmem>>
        %dma_start3A_24 = arith.constant 0 : i32
        %dma_start3A_25 = arith.constant 0 : i32
        %dma_start3A_26 = tpu.memref_slice %arg8[%dma_start3A_24, %dma_start3A_25] : memref<10240x16xf32, #tpu.memory_space<vmem_shared>> -> memref<10240x16xf32, #tpu.memory_space<vmem_shared>>
        tpu.enqueue_indirect_dma source(%arg7 : memref<128x16xf32, #tpu.memory_space<vmem>>) target(%dma_start3A_26 : memref<10240x16xf32, #tpu.memory_space<vmem_shared>>) offsets(%dma_start3A_23 : memref<128xi32, #tpu.memory_space<vmem>>) semaphore(%run_scoped3A : memref<!tpu.dma_semaphore, #tpu.memory_space<semaphore_mem>>) {add = true}
        %dma_wait3A = arith.constant 0 : i32
        %dma_wait3A_27 = tpu.memref_slice %arg6[%scan3A_19, %dma_wait3A] : memref<80x128xi32, #tpu.memory_space<vmem>> -> memref<1x128xi32, #tpu.memory_space<vmem>>
        %dma_wait3A_28 = tpu.memref_squeeze %dma_wait3A_27 : memref<1x128xi32, #tpu.memory_space<vmem>> -> memref<128xi32, #tpu.memory_space<vmem>>
        %dma_wait3A_29 = arith.constant 0 : i32
        %dma_wait3A_30 = arith.constant 0 : i32
        %dma_wait3A_31 = tpu.memref_slice %arg8[%dma_wait3A_29, %dma_wait3A_30] : memref<10240x16xf32, #tpu.memory_space<vmem_shared>> -> memref<10240x16xf32, #tpu.memory_space<vmem_shared>>
        tpu.wait_indirect_dma semaphore(%run_scoped3A : memref<!tpu.dma_semaphore, #tpu.memory_space<semaphore_mem>>) src(%arg7 : memref<128x16xf32, #tpu.memory_space<vmem>>) dst(%dma_wait3A_31 : memref<10240x16xf32, #tpu.memory_space<vmem_shared>>)
        tpu.yield
      }) : () -> ()
      %scan3A_21 = arith.constant 0 : i32
      scf.yield %scan3A_21 : i32
    }
    %scan3A_10 = arith.constant 80 : i32
    %barrier3A_11 = arith.constant 0 : index
    tpu.barrier barrier_id(%barrier3A_11)
    %mul3A_12 = arith.constant 640 : i32
    %mul3A_13 = arith.muli %arg1, %mul3A_12 : i32
    %mul3A_14 = arith.constant 10240 : i32
    %mul3A_15 = arith.muli %arg0, %mul3A_14 : i32
    %mul3A_16 = arith.constant 640 : i32
    %mul3A_17 = arith.muli %arg1, %mul3A_16 : i32
    %add3A_18 = arith.addi %mul3A_15, %mul3A_17 : i32
    "tpu.region"() ({
      %run_scoped3A = tpu.sem_alloc : memref<!tpu.dma_semaphore, #tpu.memory_space<semaphore_mem>>
      %dma_start3A = arith.constant 0 : i32
      %dma_start3A_19 = tpu.memref_slice %arg5[%add3A_18, %dma_start3A] : memref<20480x16xf32, #tpu.memory_space<hbm>> -> memref<640x16xf32, #tpu.memory_space<hbm>>
      %dma_start3A_20 = arith.constant 0 : i32
      %dma_start3A_21 = tpu.memref_slice %arg8[%mul3A_13, %dma_start3A_20] : memref<10240x16xf32, #tpu.memory_space<vmem_shared>> -> memref<640x16xf32, #tpu.memory_space<vmem_shared>>
      tpu.enqueue_dma source(%dma_start3A_21 : memref<640x16xf32, #tpu.memory_space<vmem_shared>>) target(%dma_start3A_19 : memref<640x16xf32, #tpu.memory_space<hbm>>) target_semaphore(%run_scoped3A : memref<!tpu.dma_semaphore, #tpu.memory_space<semaphore_mem>>)
      %dma_wait3A = arith.constant 0 : i32
      %dma_wait3A_22 = tpu.memref_slice %arg5[%add3A_18, %dma_wait3A] : memref<20480x16xf32, #tpu.memory_space<hbm>> -> memref<640x16xf32, #tpu.memory_space<hbm>>
      %dma_wait3A_23 = arith.constant 0 : i32
      %dma_wait3A_24 = tpu.memref_slice %arg8[%mul3A_13, %dma_wait3A_23] : memref<10240x16xf32, #tpu.memory_space<vmem_shared>> -> memref<640x16xf32, #tpu.memory_space<vmem_shared>>
      tpu.wait_dma2 semaphore(%run_scoped3A : memref<!tpu.dma_semaphore, #tpu.memory_space<semaphore_mem>>) src(%dma_wait3A_24 : memref<640x16xf32, #tpu.memory_space<vmem_shared>>) dst(%dma_wait3A_22 : memref<640x16xf32, #tpu.memory_space<hbm>>)
      tpu.yield
    }) : () -> ()
    return
  }
}

#map = affine_map<(d0, d1) -> (0, 0)>
#map1 = affine_map<(d0, d1) -> (0, 0, 0)>
module attributes {stable_mosaic.version = 14 : i64} {
  func.func @k(%arg0: i32, %arg1: i32, %arg2: memref<10240x128xf32, #tpu.memory_space<hbm>>, %arg3: memref<64x40x128xi32, #tpu.memory_space<hbm>>, %arg4: memref<64x40x128xi32, #tpu.memory_space<hbm>>, %arg5: memref<10240x128xf32, #tpu.memory_space<hbm>>, %arg6: memref<20480x128xf32, #tpu.memory_space<hbm>>, %arg7: memref<40x128xi32, #tpu.memory_space<vmem>>, %arg8: memref<40x128xi32, #tpu.memory_space<vmem>>, %arg9: memref<128x128xf32, #tpu.memory_space<vmem>>, %arg10: memref<128x128xf32, #tpu.memory_space<vmem>>, %arg11: memref<10240x128xf32, #tpu.memory_space<vmem_shared>>, %arg12: memref<!tpu.dma_semaphore, #tpu.memory_space<semaphore_mem>>, %arg13: memref<!tpu.dma_semaphore, #tpu.memory_space<semaphore_mem>>, %arg14: memref<!tpu.dma_semaphore, #tpu.memory_space<semaphore_mem>>, %arg15: memref<!tpu.dma_semaphore, #tpu.memory_space<semaphore_mem>>) attributes {dimension_semantics = [#tpu.dimension_semantics<core_parallel>, #tpu.dimension_semantics<subcore_parallel>], iteration_bounds = array<i64: 2, 16>, scalar_prefetch = 0 : i64, scratch_operands = 9 : i64, tpu.core_type = #tpu.core_type<sc_vector_subcore>, window_params = [{transform_indices = #map}, {transform_indices = #map1}, {transform_indices = #map1}, {transform_indices = #map}, {transform_indices = #map}]} {
    %mul3A = arith.constant 2 : i32
    %mul3A_0 = arith.muli %arg1, %mul3A : i32
    %add3A = arith.addi %mul3A_0, %arg0 : i32
    %mul3A_1 = arith.constant 640 : i32
    %mul3A_2 = arith.muli %arg1, %mul3A_1 : i32
    %mul3A_3 = arith.constant 640 : i32
    %mul3A_4 = arith.muli %arg1, %mul3A_3 : i32
    "tpu.region"() ({
      %run_scoped3A_99 = tpu.sem_alloc : memref<!tpu.dma_semaphore, #tpu.memory_space<semaphore_mem>>
      %dma_start3A_100 = arith.constant 0 : i32
      %dma_start3A_101 = tpu.memref_slice %arg11[%mul3A_4, %dma_start3A_100] : memref<10240x128xf32, #tpu.memory_space<vmem_shared>> -> memref<640x128xf32, #tpu.memory_space<vmem_shared>>
      %dma_start3A_102 = arith.constant 0 : i32
      %dma_start3A_103 = tpu.memref_slice %arg5[%mul3A_2, %dma_start3A_102] : memref<10240x128xf32, #tpu.memory_space<hbm>> -> memref<640x128xf32, #tpu.memory_space<hbm>>
      tpu.enqueue_dma source(%dma_start3A_103 : memref<640x128xf32, #tpu.memory_space<hbm>>) target(%dma_start3A_101 : memref<640x128xf32, #tpu.memory_space<vmem_shared>>) target_semaphore(%run_scoped3A_99 : memref<!tpu.dma_semaphore, #tpu.memory_space<semaphore_mem>>)
      %dma_wait3A_104 = arith.constant 0 : i32
      %dma_wait3A_105 = tpu.memref_slice %arg11[%mul3A_4, %dma_wait3A_104] : memref<10240x128xf32, #tpu.memory_space<vmem_shared>> -> memref<640x128xf32, #tpu.memory_space<vmem_shared>>
      %dma_wait3A_106 = arith.constant 0 : i32
      %dma_wait3A_107 = tpu.memref_slice %arg5[%mul3A_2, %dma_wait3A_106] : memref<10240x128xf32, #tpu.memory_space<hbm>> -> memref<640x128xf32, #tpu.memory_space<hbm>>
      tpu.wait_dma2 semaphore(%run_scoped3A_99 : memref<!tpu.dma_semaphore, #tpu.memory_space<semaphore_mem>>) src(%dma_wait3A_107 : memref<640x128xf32, #tpu.memory_space<hbm>>) dst(%dma_wait3A_105 : memref<640x128xf32, #tpu.memory_space<vmem_shared>>)
      tpu.yield
    }) : () -> ()
    %barrier3A = arith.constant 0 : index
    tpu.barrier barrier_id(%barrier3A)
    %mul3A_5 = arith.constant 2 : i32
    %mul3A_6 = arith.muli %add3A, %mul3A_5 : i32
    %add3A_7 = arith.constant 0 : i32
    %add3A_8 = arith.addi %mul3A_6, %add3A_7 : i32
    "tpu.region"() ({
      %run_scoped3A_99 = tpu.sem_alloc : memref<!tpu.dma_semaphore, #tpu.memory_space<semaphore_mem>>
      %dma_start3A_100 = arith.constant 0 : i32
      %dma_start3A_101 = arith.constant 0 : i32
      %dma_start3A_102 = tpu.memref_slice %arg3[%add3A_8, %dma_start3A_100, %dma_start3A_101] : memref<64x40x128xi32, #tpu.memory_space<hbm>> -> memref<1x40x128xi32, #tpu.memory_space<hbm>>
      %dma_start3A_103 = tpu.memref_squeeze %dma_start3A_102 : memref<1x40x128xi32, #tpu.memory_space<hbm>> -> memref<40x128xi32, #tpu.memory_space<hbm>>
      %dma_start3A_104 = arith.constant 0 : i32
      %dma_start3A_105 = arith.constant 0 : i32
      %dma_start3A_106 = tpu.memref_slice %arg3[%add3A_8, %dma_start3A_104, %dma_start3A_105] : memref<64x40x128xi32, #tpu.memory_space<hbm>> -> memref<1x40x128xi32, #tpu.memory_space<hbm>>
      %dma_start3A_107 = tpu.memref_squeeze %dma_start3A_106 : memref<1x40x128xi32, #tpu.memory_space<hbm>> -> memref<40x128xi32, #tpu.memory_space<hbm>>
      tpu.enqueue_dma source(%dma_start3A_107 : memref<40x128xi32, #tpu.memory_space<hbm>>) target(%arg7 : memref<40x128xi32, #tpu.memory_space<vmem>>) target_semaphore(%run_scoped3A_99 : memref<!tpu.dma_semaphore, #tpu.memory_space<semaphore_mem>>)
      %dma_wait3A_108 = arith.constant 0 : i32
      %dma_wait3A_109 = arith.constant 0 : i32
      %dma_wait3A_110 = tpu.memref_slice %arg3[%add3A_8, %dma_wait3A_108, %dma_wait3A_109] : memref<64x40x128xi32, #tpu.memory_space<hbm>> -> memref<1x40x128xi32, #tpu.memory_space<hbm>>
      %dma_wait3A_111 = tpu.memref_squeeze %dma_wait3A_110 : memref<1x40x128xi32, #tpu.memory_space<hbm>> -> memref<40x128xi32, #tpu.memory_space<hbm>>
      %dma_wait3A_112 = arith.constant 0 : i32
      %dma_wait3A_113 = arith.constant 0 : i32
      %dma_wait3A_114 = tpu.memref_slice %arg3[%add3A_8, %dma_wait3A_112, %dma_wait3A_113] : memref<64x40x128xi32, #tpu.memory_space<hbm>> -> memref<1x40x128xi32, #tpu.memory_space<hbm>>
      %dma_wait3A_115 = tpu.memref_squeeze %dma_wait3A_114 : memref<1x40x128xi32, #tpu.memory_space<hbm>> -> memref<40x128xi32, #tpu.memory_space<hbm>>
      tpu.wait_dma2 semaphore(%run_scoped3A_99 : memref<!tpu.dma_semaphore, #tpu.memory_space<semaphore_mem>>) src(%dma_wait3A_115 : memref<40x128xi32, #tpu.memory_space<hbm>>) dst(%arg7 : memref<40x128xi32, #tpu.memory_space<vmem>>)
      tpu.yield
    }) : () -> ()
    %mul3A_9 = arith.constant 2 : i32
    %mul3A_10 = arith.muli %add3A, %mul3A_9 : i32
    %add3A_11 = arith.constant 0 : i32
    %add3A_12 = arith.addi %mul3A_10, %add3A_11 : i32
    "tpu.region"() ({
      %run_scoped3A_99 = tpu.sem_alloc : memref<!tpu.dma_semaphore, #tpu.memory_space<semaphore_mem>>
      %dma_start3A_100 = arith.constant 0 : i32
      %dma_start3A_101 = arith.constant 0 : i32
      %dma_start3A_102 = tpu.memref_slice %arg4[%add3A_12, %dma_start3A_100, %dma_start3A_101] : memref<64x40x128xi32, #tpu.memory_space<hbm>> -> memref<1x40x128xi32, #tpu.memory_space<hbm>>
      %dma_start3A_103 = tpu.memref_squeeze %dma_start3A_102 : memref<1x40x128xi32, #tpu.memory_space<hbm>> -> memref<40x128xi32, #tpu.memory_space<hbm>>
      %dma_start3A_104 = arith.constant 0 : i32
      %dma_start3A_105 = arith.constant 0 : i32
      %dma_start3A_106 = tpu.memref_slice %arg4[%add3A_12, %dma_start3A_104, %dma_start3A_105] : memref<64x40x128xi32, #tpu.memory_space<hbm>> -> memref<1x40x128xi32, #tpu.memory_space<hbm>>
      %dma_start3A_107 = tpu.memref_squeeze %dma_start3A_106 : memref<1x40x128xi32, #tpu.memory_space<hbm>> -> memref<40x128xi32, #tpu.memory_space<hbm>>
      tpu.enqueue_dma source(%dma_start3A_107 : memref<40x128xi32, #tpu.memory_space<hbm>>) target(%arg8 : memref<40x128xi32, #tpu.memory_space<vmem>>) target_semaphore(%run_scoped3A_99 : memref<!tpu.dma_semaphore, #tpu.memory_space<semaphore_mem>>)
      %dma_wait3A_108 = arith.constant 0 : i32
      %dma_wait3A_109 = arith.constant 0 : i32
      %dma_wait3A_110 = tpu.memref_slice %arg4[%add3A_12, %dma_wait3A_108, %dma_wait3A_109] : memref<64x40x128xi32, #tpu.memory_space<hbm>> -> memref<1x40x128xi32, #tpu.memory_space<hbm>>
      %dma_wait3A_111 = tpu.memref_squeeze %dma_wait3A_110 : memref<1x40x128xi32, #tpu.memory_space<hbm>> -> memref<40x128xi32, #tpu.memory_space<hbm>>
      %dma_wait3A_112 = arith.constant 0 : i32
      %dma_wait3A_113 = arith.constant 0 : i32
      %dma_wait3A_114 = tpu.memref_slice %arg4[%add3A_12, %dma_wait3A_112, %dma_wait3A_113] : memref<64x40x128xi32, #tpu.memory_space<hbm>> -> memref<1x40x128xi32, #tpu.memory_space<hbm>>
      %dma_wait3A_115 = tpu.memref_squeeze %dma_wait3A_114 : memref<1x40x128xi32, #tpu.memory_space<hbm>> -> memref<40x128xi32, #tpu.memory_space<hbm>>
      tpu.wait_dma2 semaphore(%run_scoped3A_99 : memref<!tpu.dma_semaphore, #tpu.memory_space<semaphore_mem>>) src(%dma_wait3A_115 : memref<40x128xi32, #tpu.memory_space<hbm>>) dst(%arg8 : memref<40x128xi32, #tpu.memory_space<vmem>>)
      tpu.yield
    }) : () -> ()
    %dma_start3A = arith.constant 0 : i32
    %dma_start3A_13 = arith.constant 0 : i32
    %dma_start3A_14 = tpu.memref_slice %arg7[%dma_start3A, %dma_start3A_13] : memref<40x128xi32, #tpu.memory_space<vmem>> -> memref<1x128xi32, #tpu.memory_space<vmem>>
    %dma_start3A_15 = tpu.memref_squeeze %dma_start3A_14 : memref<1x128xi32, #tpu.memory_space<vmem>> -> memref<128xi32, #tpu.memory_space<vmem>>
    %dma_start3A_16 = arith.constant 0 : i32
    %dma_start3A_17 = arith.constant 0 : i32
    %dma_start3A_18 = tpu.memref_slice %arg2[%dma_start3A_16, %dma_start3A_17] : memref<10240x128xf32, #tpu.memory_space<hbm>> -> memref<10240x128xf32, #tpu.memory_space<hbm>>
    tpu.enqueue_indirect_dma source(%dma_start3A_18 : memref<10240x128xf32, #tpu.memory_space<hbm>>) target(%arg9 : memref<128x128xf32, #tpu.memory_space<vmem>>) offsets(%dma_start3A_15 : memref<128xi32, #tpu.memory_space<vmem>>) semaphore(%arg12 : memref<!tpu.dma_semaphore, #tpu.memory_space<semaphore_mem>>)
    %dma_start3A_19 = arith.constant 1 : i32
    %dma_start3A_20 = arith.constant 0 : i32
    %dma_start3A_21 = tpu.memref_slice %arg7[%dma_start3A_19, %dma_start3A_20] : memref<40x128xi32, #tpu.memory_space<vmem>> -> memref<1x128xi32, #tpu.memory_space<vmem>>
    %dma_start3A_22 = tpu.memref_squeeze %dma_start3A_21 : memref<1x128xi32, #tpu.memory_space<vmem>> -> memref<128xi32, #tpu.memory_space<vmem>>
    %dma_start3A_23 = arith.constant 0 : i32
    %dma_start3A_24 = arith.constant 0 : i32
    %dma_start3A_25 = tpu.memref_slice %arg2[%dma_start3A_23, %dma_start3A_24] : memref<10240x128xf32, #tpu.memory_space<hbm>> -> memref<10240x128xf32, #tpu.memory_space<hbm>>
    tpu.enqueue_indirect_dma source(%dma_start3A_25 : memref<10240x128xf32, #tpu.memory_space<hbm>>) target(%arg10 : memref<128x128xf32, #tpu.memory_space<vmem>>) offsets(%dma_start3A_22 : memref<128xi32, #tpu.memory_space<vmem>>) semaphore(%arg13 : memref<!tpu.dma_semaphore, #tpu.memory_space<semaphore_mem>>)
    %scan3A = arith.constant 0 : i32
    %scan3A_26 = arith.constant 0 : i32
    %scan3A_27 = arith.constant 19 : i32
    %scan3A_28 = arith.addi %scan3A_26, %scan3A_27 : i32
    %scan3A_29 = arith.constant 1 : i32
    %scan3A_30 = scf.for %scan3A_99 = %scan3A_26 to %scan3A_28 step %scan3A_29 iter_args(%scan3A_100 = %scan3A) -> (i32)  : i32 {
      %mul3A_101 = arith.constant 2 : i32
      %mul3A_102 = arith.muli %scan3A_99, %mul3A_101 : i32
      %add3A_103 = arith.constant 0 : i32
      %add3A_104 = arith.addi %mul3A_102, %add3A_103 : i32
      %dma_wait3A_105 = arith.constant 0 : i32
      %dma_wait3A_106 = tpu.memref_slice %arg7[%add3A_104, %dma_wait3A_105] : memref<40x128xi32, #tpu.memory_space<vmem>> -> memref<1x128xi32, #tpu.memory_space<vmem>>
      %dma_wait3A_107 = tpu.memref_squeeze %dma_wait3A_106 : memref<1x128xi32, #tpu.memory_space<vmem>> -> memref<128xi32, #tpu.memory_space<vmem>>
      %dma_wait3A_108 = arith.constant 0 : i32
      %dma_wait3A_109 = arith.constant 0 : i32
      %dma_wait3A_110 = tpu.memref_slice %arg2[%dma_wait3A_108, %dma_wait3A_109] : memref<10240x128xf32, #tpu.memory_space<hbm>> -> memref<10240x128xf32, #tpu.memory_space<hbm>>
      tpu.wait_indirect_dma semaphore(%arg12 : memref<!tpu.dma_semaphore, #tpu.memory_space<semaphore_mem>>) src(%dma_wait3A_110 : memref<10240x128xf32, #tpu.memory_space<hbm>>) dst(%arg9 : memref<128x128xf32, #tpu.memory_space<vmem>>)
      %dma_start3A_111 = arith.constant 0 : i32
      %dma_start3A_112 = tpu.memref_slice %arg8[%add3A_104, %dma_start3A_111] : memref<40x128xi32, #tpu.memory_space<vmem>> -> memref<1x128xi32, #tpu.memory_space<vmem>>
      %dma_start3A_113 = tpu.memref_squeeze %dma_start3A_112 : memref<1x128xi32, #tpu.memory_space<vmem>> -> memref<128xi32, #tpu.memory_space<vmem>>
      %dma_start3A_114 = arith.constant 0 : i32
      %dma_start3A_115 = arith.constant 0 : i32
      %dma_start3A_116 = tpu.memref_slice %arg11[%dma_start3A_114, %dma_start3A_115] : memref<10240x128xf32, #tpu.memory_space<vmem_shared>> -> memref<10240x128xf32, #tpu.memory_space<vmem_shared>>
      tpu.enqueue_indirect_dma source(%arg9 : memref<128x128xf32, #tpu.memory_space<vmem>>) target(%dma_start3A_116 : memref<10240x128xf32, #tpu.memory_space<vmem_shared>>) offsets(%dma_start3A_113 : memref<128xi32, #tpu.memory_space<vmem>>) semaphore(%arg14 : memref<!tpu.dma_semaphore, #tpu.memory_space<semaphore_mem>>) {add = true}
      %mul3A_117 = arith.constant 2 : i32
      %mul3A_118 = arith.muli %scan3A_99, %mul3A_117 : i32
      %add3A_119 = arith.constant 1 : i32
      %add3A_120 = arith.addi %mul3A_118, %add3A_119 : i32
      %dma_wait3A_121 = arith.constant 0 : i32
      %dma_wait3A_122 = tpu.memref_slice %arg7[%add3A_120, %dma_wait3A_121] : memref<40x128xi32, #tpu.memory_space<vmem>> -> memref<1x128xi32, #tpu.memory_space<vmem>>
      %dma_wait3A_123 = tpu.memref_squeeze %dma_wait3A_122 : memref<1x128xi32, #tpu.memory_space<vmem>> -> memref<128xi32, #tpu.memory_space<vmem>>
      %dma_wait3A_124 = arith.constant 0 : i32
      %dma_wait3A_125 = arith.constant 0 : i32
      %dma_wait3A_126 = tpu.memref_slice %arg2[%dma_wait3A_124, %dma_wait3A_125] : memref<10240x128xf32, #tpu.memory_space<hbm>> -> memref<10240x128xf32, #tpu.memory_space<hbm>>
      tpu.wait_indirect_dma semaphore(%arg13 : memref<!tpu.dma_semaphore, #tpu.memory_space<semaphore_mem>>) src(%dma_wait3A_126 : memref<10240x128xf32, #tpu.memory_space<hbm>>) dst(%arg10 : memref<128x128xf32, #tpu.memory_space<vmem>>)
      %dma_start3A_127 = arith.constant 0 : i32
      %dma_start3A_128 = tpu.memref_slice %arg8[%add3A_120, %dma_start3A_127] : memref<40x128xi32, #tpu.memory_space<vmem>> -> memref<1x128xi32, #tpu.memory_space<vmem>>
      %dma_start3A_129 = tpu.memref_squeeze %dma_start3A_128 : memref<1x128xi32, #tpu.memory_space<vmem>> -> memref<128xi32, #tpu.memory_space<vmem>>
      %dma_start3A_130 = arith.constant 0 : i32
      %dma_start3A_131 = arith.constant 0 : i32
      %dma_start3A_132 = tpu.memref_slice %arg11[%dma_start3A_130, %dma_start3A_131] : memref<10240x128xf32, #tpu.memory_space<vmem_shared>> -> memref<10240x128xf32, #tpu.memory_space<vmem_shared>>
      tpu.enqueue_indirect_dma source(%arg10 : memref<128x128xf32, #tpu.memory_space<vmem>>) target(%dma_start3A_132 : memref<10240x128xf32, #tpu.memory_space<vmem_shared>>) offsets(%dma_start3A_129 : memref<128xi32, #tpu.memory_space<vmem>>) semaphore(%arg15 : memref<!tpu.dma_semaphore, #tpu.memory_space<semaphore_mem>>) {add = true}
      %mul3A_133 = arith.constant 2 : i32
      %mul3A_134 = arith.muli %scan3A_99, %mul3A_133 : i32
      %add3A_135 = arith.constant 0 : i32
      %add3A_136 = arith.addi %mul3A_134, %add3A_135 : i32
      %dma_wait3A_137 = arith.constant 0 : i32
      %dma_wait3A_138 = tpu.memref_slice %arg8[%add3A_104, %dma_wait3A_137] : memref<40x128xi32, #tpu.memory_space<vmem>> -> memref<1x128xi32, #tpu.memory_space<vmem>>
      %dma_wait3A_139 = tpu.memref_squeeze %dma_wait3A_138 : memref<1x128xi32, #tpu.memory_space<vmem>> -> memref<128xi32, #tpu.memory_space<vmem>>
      %dma_wait3A_140 = arith.constant 0 : i32
      %dma_wait3A_141 = arith.constant 0 : i32
      %dma_wait3A_142 = tpu.memref_slice %arg11[%dma_wait3A_140, %dma_wait3A_141] : memref<10240x128xf32, #tpu.memory_space<vmem_shared>> -> memref<10240x128xf32, #tpu.memory_space<vmem_shared>>
      tpu.wait_indirect_dma semaphore(%arg14 : memref<!tpu.dma_semaphore, #tpu.memory_space<semaphore_mem>>) src(%arg9 : memref<128x128xf32, #tpu.memory_space<vmem>>) dst(%dma_wait3A_142 : memref<10240x128xf32, #tpu.memory_space<vmem_shared>>)
      %add3A_143 = arith.constant 2 : i32
      %add3A_144 = arith.addi %add3A_136, %add3A_143 : i32
      %dma_start3A_145 = arith.constant 0 : i32
      %dma_start3A_146 = tpu.memref_slice %arg7[%add3A_144, %dma_start3A_145] : memref<40x128xi32, #tpu.memory_space<vmem>> -> memref<1x128xi32, #tpu.memory_space<vmem>>
      %dma_start3A_147 = tpu.memref_squeeze %dma_start3A_146 : memref<1x128xi32, #tpu.memory_space<vmem>> -> memref<128xi32, #tpu.memory_space<vmem>>
      %dma_start3A_148 = arith.constant 0 : i32
      %dma_start3A_149 = arith.constant 0 : i32
      %dma_start3A_150 = tpu.memref_slice %arg2[%dma_start3A_148, %dma_start3A_149] : memref<10240x128xf32, #tpu.memory_space<hbm>> -> memref<10240x128xf32, #tpu.memory_space<hbm>>
      tpu.enqueue_indirect_dma source(%dma_start3A_150 : memref<10240x128xf32, #tpu.memory_space<hbm>>) target(%arg9 : memref<128x128xf32, #tpu.memory_space<vmem>>) offsets(%dma_start3A_147 : memref<128xi32, #tpu.memory_space<vmem>>) semaphore(%arg12 : memref<!tpu.dma_semaphore, #tpu.memory_space<semaphore_mem>>)
      %mul3A_151 = arith.constant 2 : i32
      %mul3A_152 = arith.muli %scan3A_99, %mul3A_151 : i32
      %add3A_153 = arith.constant 1 : i32
      %add3A_154 = arith.addi %mul3A_152, %add3A_153 : i32
      %dma_wait3A_155 = arith.constant 0 : i32
      %dma_wait3A_156 = tpu.memref_slice %arg8[%add3A_120, %dma_wait3A_155] : memref<40x128xi32, #tpu.memory_space<vmem>> -> memref<1x128xi32, #tpu.memory_space<vmem>>
      %dma_wait3A_157 = tpu.memref_squeeze %dma_wait3A_156 : memref<1x128xi32, #tpu.memory_space<vmem>> -> memref<128xi32, #tpu.memory_space<vmem>>
      %dma_wait3A_158 = arith.constant 0 : i32
      %dma_wait3A_159 = arith.constant 0 : i32
      %dma_wait3A_160 = tpu.memref_slice %arg11[%dma_wait3A_158, %dma_wait3A_159] : memref<10240x128xf32, #tpu.memory_space<vmem_shared>> -> memref<10240x128xf32, #tpu.memory_space<vmem_shared>>
      tpu.wait_indirect_dma semaphore(%arg15 : memref<!tpu.dma_semaphore, #tpu.memory_space<semaphore_mem>>) src(%arg10 : memref<128x128xf32, #tpu.memory_space<vmem>>) dst(%dma_wait3A_160 : memref<10240x128xf32, #tpu.memory_space<vmem_shared>>)
      %add3A_161 = arith.constant 2 : i32
      %add3A_162 = arith.addi %add3A_154, %add3A_161 : i32
      %dma_start3A_163 = arith.constant 0 : i32
      %dma_start3A_164 = tpu.memref_slice %arg7[%add3A_162, %dma_start3A_163] : memref<40x128xi32, #tpu.memory_space<vmem>> -> memref<1x128xi32, #tpu.memory_space<vmem>>
      %dma_start3A_165 = tpu.memref_squeeze %dma_start3A_164 : memref<1x128xi32, #tpu.memory_space<vmem>> -> memref<128xi32, #tpu.memory_space<vmem>>
      %dma_start3A_166 = arith.constant 0 : i32
      %dma_start3A_167 = arith.constant 0 : i32
      %dma_start3A_168 = tpu.memref_slice %arg2[%dma_start3A_166, %dma_start3A_167] : memref<10240x128xf32, #tpu.memory_space<hbm>> -> memref<10240x128xf32, #tpu.memory_space<hbm>>
      tpu.enqueue_indirect_dma source(%dma_start3A_168 : memref<10240x128xf32, #tpu.memory_space<hbm>>) target(%arg10 : memref<128x128xf32, #tpu.memory_space<vmem>>) offsets(%dma_start3A_165 : memref<128xi32, #tpu.memory_space<vmem>>) semaphore(%arg13 : memref<!tpu.dma_semaphore, #tpu.memory_space<semaphore_mem>>)
      %scan3A_169 = arith.constant 0 : i32
      scf.yield %scan3A_169 : i32
    }
    %scan3A_31 = arith.constant 19 : i32
    %dma_wait3A = arith.constant 38 : i32
    %dma_wait3A_32 = arith.constant 0 : i32
    %dma_wait3A_33 = tpu.memref_slice %arg7[%dma_wait3A, %dma_wait3A_32] : memref<40x128xi32, #tpu.memory_space<vmem>> -> memref<1x128xi32, #tpu.memory_space<vmem>>
    %dma_wait3A_34 = tpu.memref_squeeze %dma_wait3A_33 : memref<1x128xi32, #tpu.memory_space<vmem>> -> memref<128xi32, #tpu.memory_space<vmem>>
    %dma_wait3A_35 = arith.constant 0 : i32
    %dma_wait3A_36 = arith.constant 0 : i32
    %dma_wait3A_37 = tpu.memref_slice %arg2[%dma_wait3A_35, %dma_wait3A_36] : memref<10240x128xf32, #tpu.memory_space<hbm>> -> memref<10240x128xf32, #tpu.memory_space<hbm>>
    tpu.wait_indirect_dma semaphore(%arg12 : memref<!tpu.dma_semaphore, #tpu.memory_space<semaphore_mem>>) src(%dma_wait3A_37 : memref<10240x128xf32, #tpu.memory_space<hbm>>) dst(%arg9 : memref<128x128xf32, #tpu.memory_space<vmem>>)
    %run_scoped3A = arith.constant 38 : i32
    "tpu.region"() ({
      %run_scoped3A_99 = tpu.sem_alloc : memref<!tpu.dma_semaphore, #tpu.memory_space<semaphore_mem>>
      %dma_start3A_100 = arith.constant 0 : i32
      %dma_start3A_101 = tpu.memref_slice %arg8[%run_scoped3A, %dma_start3A_100] : memref<40x128xi32, #tpu.memory_space<vmem>> -> memref<1x128xi32, #tpu.memory_space<vmem>>
      %dma_start3A_102 = tpu.memref_squeeze %dma_start3A_101 : memref<1x128xi32, #tpu.memory_space<vmem>> -> memref<128xi32, #tpu.memory_space<vmem>>
      %dma_start3A_103 = arith.constant 0 : i32
      %dma_start3A_104 = arith.constant 0 : i32
      %dma_start3A_105 = tpu.memref_slice %arg11[%dma_start3A_103, %dma_start3A_104] : memref<10240x128xf32, #tpu.memory_space<vmem_shared>> -> memref<10240x128xf32, #tpu.memory_space<vmem_shared>>
      tpu.enqueue_indirect_dma source(%arg9 : memref<128x128xf32, #tpu.memory_space<vmem>>) target(%dma_start3A_105 : memref<10240x128xf32, #tpu.memory_space<vmem_shared>>) offsets(%dma_start3A_102 : memref<128xi32, #tpu.memory_space<vmem>>) semaphore(%run_scoped3A_99 : memref<!tpu.dma_semaphore, #tpu.memory_space<semaphore_mem>>) {add = true}
      %dma_wait3A_106 = arith.constant 0 : i32
      %dma_wait3A_107 = tpu.memref_slice %arg8[%run_scoped3A, %dma_wait3A_106] : memref<40x128xi32, #tpu.memory_space<vmem>> -> memref<1x128xi32, #tpu.memory_space<vmem>>
      %dma_wait3A_108 = tpu.memref_squeeze %dma_wait3A_107 : memref<1x128xi32, #tpu.memory_space<vmem>> -> memref<128xi32, #tpu.memory_space<vmem>>
      %dma_wait3A_109 = arith.constant 0 : i32
      %dma_wait3A_110 = arith.constant 0 : i32
      %dma_wait3A_111 = tpu.memref_slice %arg11[%dma_wait3A_109, %dma_wait3A_110] : memref<10240x128xf32, #tpu.memory_space<vmem_shared>> -> memref<10240x128xf32, #tpu.memory_space<vmem_shared>>
      tpu.wait_indirect_dma semaphore(%run_scoped3A_99 : memref<!tpu.dma_semaphore, #tpu.memory_space<semaphore_mem>>) src(%arg9 : memref<128x128xf32, #tpu.memory_space<vmem>>) dst(%dma_wait3A_111 : memref<10240x128xf32, #tpu.memory_space<vmem_shared>>)
      tpu.yield
    }) : () -> ()
    %dma_wait3A_38 = arith.constant 39 : i32
    %dma_wait3A_39 = arith.constant 0 : i32
    %dma_wait3A_40 = tpu.memref_slice %arg7[%dma_wait3A_38, %dma_wait3A_39] : memref<40x128xi32, #tpu.memory_space<vmem>> -> memref<1x128xi32, #tpu.memory_space<vmem>>
    %dma_wait3A_41 = tpu.memref_squeeze %dma_wait3A_40 : memref<1x128xi32, #tpu.memory_space<vmem>> -> memref<128xi32, #tpu.memory_space<vmem>>
    %dma_wait3A_42 = arith.constant 0 : i32
    %dma_wait3A_43 = arith.constant 0 : i32
    %dma_wait3A_44 = tpu.memref_slice %arg2[%dma_wait3A_42, %dma_wait3A_43] : memref<10240x128xf32, #tpu.memory_space<hbm>> -> memref<10240x128xf32, #tpu.memory_space<hbm>>
    tpu.wait_indirect_dma semaphore(%arg13 : memref<!tpu.dma_semaphore, #tpu.memory_space<semaphore_mem>>) src(%dma_wait3A_44 : memref<10240x128xf32, #tpu.memory_space<hbm>>) dst(%arg10 : memref<128x128xf32, #tpu.memory_space<vmem>>)
    %run_scoped3A_45 = arith.constant 39 : i32
    "tpu.region"() ({
      %run_scoped3A_99 = tpu.sem_alloc : memref<!tpu.dma_semaphore, #tpu.memory_space<semaphore_mem>>
      %dma_start3A_100 = arith.constant 0 : i32
      %dma_start3A_101 = tpu.memref_slice %arg8[%run_scoped3A_45, %dma_start3A_100] : memref<40x128xi32, #tpu.memory_space<vmem>> -> memref<1x128xi32, #tpu.memory_space<vmem>>
      %dma_start3A_102 = tpu.memref_squeeze %dma_start3A_101 : memref<1x128xi32, #tpu.memory_space<vmem>> -> memref<128xi32, #tpu.memory_space<vmem>>
      %dma_start3A_103 = arith.constant 0 : i32
      %dma_start3A_104 = arith.constant 0 : i32
      %dma_start3A_105 = tpu.memref_slice %arg11[%dma_start3A_103, %dma_start3A_104] : memref<10240x128xf32, #tpu.memory_space<vmem_shared>> -> memref<10240x128xf32, #tpu.memory_space<vmem_shared>>
      tpu.enqueue_indirect_dma source(%arg10 : memref<128x128xf32, #tpu.memory_space<vmem>>) target(%dma_start3A_105 : memref<10240x128xf32, #tpu.memory_space<vmem_shared>>) offsets(%dma_start3A_102 : memref<128xi32, #tpu.memory_space<vmem>>) semaphore(%run_scoped3A_99 : memref<!tpu.dma_semaphore, #tpu.memory_space<semaphore_mem>>) {add = true}
      %dma_wait3A_106 = arith.constant 0 : i32
      %dma_wait3A_107 = tpu.memref_slice %arg8[%run_scoped3A_45, %dma_wait3A_106] : memref<40x128xi32, #tpu.memory_space<vmem>> -> memref<1x128xi32, #tpu.memory_space<vmem>>
      %dma_wait3A_108 = tpu.memref_squeeze %dma_wait3A_107 : memref<1x128xi32, #tpu.memory_space<vmem>> -> memref<128xi32, #tpu.memory_space<vmem>>
      %dma_wait3A_109 = arith.constant 0 : i32
      %dma_wait3A_110 = arith.constant 0 : i32
      %dma_wait3A_111 = tpu.memref_slice %arg11[%dma_wait3A_109, %dma_wait3A_110] : memref<10240x128xf32, #tpu.memory_space<vmem_shared>> -> memref<10240x128xf32, #tpu.memory_space<vmem_shared>>
      tpu.wait_indirect_dma semaphore(%run_scoped3A_99 : memref<!tpu.dma_semaphore, #tpu.memory_space<semaphore_mem>>) src(%arg10 : memref<128x128xf32, #tpu.memory_space<vmem>>) dst(%dma_wait3A_111 : memref<10240x128xf32, #tpu.memory_space<vmem_shared>>)
      tpu.yield
    }) : () -> ()
    %mul3A_46 = arith.constant 2 : i32
    %mul3A_47 = arith.muli %add3A, %mul3A_46 : i32
    %add3A_48 = arith.constant 1 : i32
    %add3A_49 = arith.addi %mul3A_47, %add3A_48 : i32
    "tpu.region"() ({
      %run_scoped3A_99 = tpu.sem_alloc : memref<!tpu.dma_semaphore, #tpu.memory_space<semaphore_mem>>
      %dma_start3A_100 = arith.constant 0 : i32
      %dma_start3A_101 = arith.constant 0 : i32
      %dma_start3A_102 = tpu.memref_slice %arg3[%add3A_49, %dma_start3A_100, %dma_start3A_101] : memref<64x40x128xi32, #tpu.memory_space<hbm>> -> memref<1x40x128xi32, #tpu.memory_space<hbm>>
      %dma_start3A_103 = tpu.memref_squeeze %dma_start3A_102 : memref<1x40x128xi32, #tpu.memory_space<hbm>> -> memref<40x128xi32, #tpu.memory_space<hbm>>
      %dma_start3A_104 = arith.constant 0 : i32
      %dma_start3A_105 = arith.constant 0 : i32
      %dma_start3A_106 = tpu.memref_slice %arg3[%add3A_49, %dma_start3A_104, %dma_start3A_105] : memref<64x40x128xi32, #tpu.memory_space<hbm>> -> memref<1x40x128xi32, #tpu.memory_space<hbm>>
      %dma_start3A_107 = tpu.memref_squeeze %dma_start3A_106 : memref<1x40x128xi32, #tpu.memory_space<hbm>> -> memref<40x128xi32, #tpu.memory_space<hbm>>
      tpu.enqueue_dma source(%dma_start3A_107 : memref<40x128xi32, #tpu.memory_space<hbm>>) target(%arg7 : memref<40x128xi32, #tpu.memory_space<vmem>>) target_semaphore(%run_scoped3A_99 : memref<!tpu.dma_semaphore, #tpu.memory_space<semaphore_mem>>)
      %dma_wait3A_108 = arith.constant 0 : i32
      %dma_wait3A_109 = arith.constant 0 : i32
      %dma_wait3A_110 = tpu.memref_slice %arg3[%add3A_49, %dma_wait3A_108, %dma_wait3A_109] : memref<64x40x128xi32, #tpu.memory_space<hbm>> -> memref<1x40x128xi32, #tpu.memory_space<hbm>>
      %dma_wait3A_111 = tpu.memref_squeeze %dma_wait3A_110 : memref<1x40x128xi32, #tpu.memory_space<hbm>> -> memref<40x128xi32, #tpu.memory_space<hbm>>
      %dma_wait3A_112 = arith.constant 0 : i32
      %dma_wait3A_113 = arith.constant 0 : i32
      %dma_wait3A_114 = tpu.memref_slice %arg3[%add3A_49, %dma_wait3A_112, %dma_wait3A_113] : memref<64x40x128xi32, #tpu.memory_space<hbm>> -> memref<1x40x128xi32, #tpu.memory_space<hbm>>
      %dma_wait3A_115 = tpu.memref_squeeze %dma_wait3A_114 : memref<1x40x128xi32, #tpu.memory_space<hbm>> -> memref<40x128xi32, #tpu.memory_space<hbm>>
      tpu.wait_dma2 semaphore(%run_scoped3A_99 : memref<!tpu.dma_semaphore, #tpu.memory_space<semaphore_mem>>) src(%dma_wait3A_115 : memref<40x128xi32, #tpu.memory_space<hbm>>) dst(%arg7 : memref<40x128xi32, #tpu.memory_space<vmem>>)
      tpu.yield
    }) : () -> ()
    %mul3A_50 = arith.constant 2 : i32
    %mul3A_51 = arith.muli %add3A, %mul3A_50 : i32
    %add3A_52 = arith.constant 1 : i32
    %add3A_53 = arith.addi %mul3A_51, %add3A_52 : i32
    "tpu.region"() ({
      %run_scoped3A_99 = tpu.sem_alloc : memref<!tpu.dma_semaphore, #tpu.memory_space<semaphore_mem>>
      %dma_start3A_100 = arith.constant 0 : i32
      %dma_start3A_101 = arith.constant 0 : i32
      %dma_start3A_102 = tpu.memref_slice %arg4[%add3A_53, %dma_start3A_100, %dma_start3A_101] : memref<64x40x128xi32, #tpu.memory_space<hbm>> -> memref<1x40x128xi32, #tpu.memory_space<hbm>>
      %dma_start3A_103 = tpu.memref_squeeze %dma_start3A_102 : memref<1x40x128xi32, #tpu.memory_space<hbm>> -> memref<40x128xi32, #tpu.memory_space<hbm>>
      %dma_start3A_104 = arith.constant 0 : i32
      %dma_start3A_105 = arith.constant 0 : i32
      %dma_start3A_106 = tpu.memref_slice %arg4[%add3A_53, %dma_start3A_104, %dma_start3A_105] : memref<64x40x128xi32, #tpu.memory_space<hbm>> -> memref<1x40x128xi32, #tpu.memory_space<hbm>>
      %dma_start3A_107 = tpu.memref_squeeze %dma_start3A_106 : memref<1x40x128xi32, #tpu.memory_space<hbm>> -> memref<40x128xi32, #tpu.memory_space<hbm>>
      tpu.enqueue_dma source(%dma_start3A_107 : memref<40x128xi32, #tpu.memory_space<hbm>>) target(%arg8 : memref<40x128xi32, #tpu.memory_space<vmem>>) target_semaphore(%run_scoped3A_99 : memref<!tpu.dma_semaphore, #tpu.memory_space<semaphore_mem>>)
      %dma_wait3A_108 = arith.constant 0 : i32
      %dma_wait3A_109 = arith.constant 0 : i32
      %dma_wait3A_110 = tpu.memref_slice %arg4[%add3A_53, %dma_wait3A_108, %dma_wait3A_109] : memref<64x40x128xi32, #tpu.memory_space<hbm>> -> memref<1x40x128xi32, #tpu.memory_space<hbm>>
      %dma_wait3A_111 = tpu.memref_squeeze %dma_wait3A_110 : memref<1x40x128xi32, #tpu.memory_space<hbm>> -> memref<40x128xi32, #tpu.memory_space<hbm>>
      %dma_wait3A_112 = arith.constant 0 : i32
      %dma_wait3A_113 = arith.constant 0 : i32
      %dma_wait3A_114 = tpu.memref_slice %arg4[%add3A_53, %dma_wait3A_112, %dma_wait3A_113] : memref<64x40x128xi32, #tpu.memory_space<hbm>> -> memref<1x40x128xi32, #tpu.memory_space<hbm>>
      %dma_wait3A_115 = tpu.memref_squeeze %dma_wait3A_114 : memref<1x40x128xi32, #tpu.memory_space<hbm>> -> memref<40x128xi32, #tpu.memory_space<hbm>>
      tpu.wait_dma2 semaphore(%run_scoped3A_99 : memref<!tpu.dma_semaphore, #tpu.memory_space<semaphore_mem>>) src(%dma_wait3A_115 : memref<40x128xi32, #tpu.memory_space<hbm>>) dst(%arg8 : memref<40x128xi32, #tpu.memory_space<vmem>>)
      tpu.yield
    }) : () -> ()
    %dma_start3A_54 = arith.constant 0 : i32
    %dma_start3A_55 = arith.constant 0 : i32
    %dma_start3A_56 = tpu.memref_slice %arg7[%dma_start3A_54, %dma_start3A_55] : memref<40x128xi32, #tpu.memory_space<vmem>> -> memref<1x128xi32, #tpu.memory_space<vmem>>
    %dma_start3A_57 = tpu.memref_squeeze %dma_start3A_56 : memref<1x128xi32, #tpu.memory_space<vmem>> -> memref<128xi32, #tpu.memory_space<vmem>>
    %dma_start3A_58 = arith.constant 0 : i32
    %dma_start3A_59 = arith.constant 0 : i32
    %dma_start3A_60 = tpu.memref_slice %arg2[%dma_start3A_58, %dma_start3A_59] : memref<10240x128xf32, #tpu.memory_space<hbm>> -> memref<10240x128xf32, #tpu.memory_space<hbm>>
    tpu.enqueue_indirect_dma source(%dma_start3A_60 : memref<10240x128xf32, #tpu.memory_space<hbm>>) target(%arg9 : memref<128x128xf32, #tpu.memory_space<vmem>>) offsets(%dma_start3A_57 : memref<128xi32, #tpu.memory_space<vmem>>) semaphore(%arg12 : memref<!tpu.dma_semaphore, #tpu.memory_space<semaphore_mem>>)
    %dma_start3A_61 = arith.constant 1 : i32
    %dma_start3A_62 = arith.constant 0 : i32
    %dma_start3A_63 = tpu.memref_slice %arg7[%dma_start3A_61, %dma_start3A_62] : memref<40x128xi32, #tpu.memory_space<vmem>> -> memref<1x128xi32, #tpu.memory_space<vmem>>
    %dma_start3A_64 = tpu.memref_squeeze %dma_start3A_63 : memref<1x128xi32, #tpu.memory_space<vmem>> -> memref<128xi32, #tpu.memory_space<vmem>>
    %dma_start3A_65 = arith.constant 0 : i32
    %dma_start3A_66 = arith.constant 0 : i32
    %dma_start3A_67 = tpu.memref_slice %arg2[%dma_start3A_65, %dma_start3A_66] : memref<10240x128xf32, #tpu.memory_space<hbm>> -> memref<10240x128xf32, #tpu.memory_space<hbm>>
    tpu.enqueue_indirect_dma source(%dma_start3A_67 : memref<10240x128xf32, #tpu.memory_space<hbm>>) target(%arg10 : memref<128x128xf32, #tpu.memory_space<vmem>>) offsets(%dma_start3A_64 : memref<128xi32, #tpu.memory_space<vmem>>) semaphore(%arg13 : memref<!tpu.dma_semaphore, #tpu.memory_space<semaphore_mem>>)
    %scan3A_68 = arith.constant 0 : i32
    %scan3A_69 = arith.constant 0 : i32
    %scan3A_70 = arith.constant 19 : i32
    %scan3A_71 = arith.addi %scan3A_69, %scan3A_70 : i32
    %scan3A_72 = arith.constant 1 : i32
    %scan3A_73 = scf.for %scan3A_99 = %scan3A_69 to %scan3A_71 step %scan3A_72 iter_args(%scan3A_100 = %scan3A_68) -> (i32)  : i32 {
      %mul3A_101 = arith.constant 2 : i32
      %mul3A_102 = arith.muli %scan3A_99, %mul3A_101 : i32
      %add3A_103 = arith.constant 0 : i32
      %add3A_104 = arith.addi %mul3A_102, %add3A_103 : i32
      %dma_wait3A_105 = arith.constant 0 : i32
      %dma_wait3A_106 = tpu.memref_slice %arg7[%add3A_104, %dma_wait3A_105] : memref<40x128xi32, #tpu.memory_space<vmem>> -> memref<1x128xi32, #tpu.memory_space<vmem>>
      %dma_wait3A_107 = tpu.memref_squeeze %dma_wait3A_106 : memref<1x128xi32, #tpu.memory_space<vmem>> -> memref<128xi32, #tpu.memory_space<vmem>>
      %dma_wait3A_108 = arith.constant 0 : i32
      %dma_wait3A_109 = arith.constant 0 : i32
      %dma_wait3A_110 = tpu.memref_slice %arg2[%dma_wait3A_108, %dma_wait3A_109] : memref<10240x128xf32, #tpu.memory_space<hbm>> -> memref<10240x128xf32, #tpu.memory_space<hbm>>
      tpu.wait_indirect_dma semaphore(%arg12 : memref<!tpu.dma_semaphore, #tpu.memory_space<semaphore_mem>>) src(%dma_wait3A_110 : memref<10240x128xf32, #tpu.memory_space<hbm>>) dst(%arg9 : memref<128x128xf32, #tpu.memory_space<vmem>>)
      %dma_start3A_111 = arith.constant 0 : i32
      %dma_start3A_112 = tpu.memref_slice %arg8[%add3A_104, %dma_start3A_111] : memref<40x128xi32, #tpu.memory_space<vmem>> -> memref<1x128xi32, #tpu.memory_space<vmem>>
      %dma_start3A_113 = tpu.memref_squeeze %dma_start3A_112 : memref<1x128xi32, #tpu.memory_space<vmem>> -> memref<128xi32, #tpu.memory_space<vmem>>
      %dma_start3A_114 = arith.constant 0 : i32
      %dma_start3A_115 = arith.constant 0 : i32
      %dma_start3A_116 = tpu.memref_slice %arg11[%dma_start3A_114, %dma_start3A_115] : memref<10240x128xf32, #tpu.memory_space<vmem_shared>> -> memref<10240x128xf32, #tpu.memory_space<vmem_shared>>
      tpu.enqueue_indirect_dma source(%arg9 : memref<128x128xf32, #tpu.memory_space<vmem>>) target(%dma_start3A_116 : memref<10240x128xf32, #tpu.memory_space<vmem_shared>>) offsets(%dma_start3A_113 : memref<128xi32, #tpu.memory_space<vmem>>) semaphore(%arg14 : memref<!tpu.dma_semaphore, #tpu.memory_space<semaphore_mem>>) {add = true}
      %mul3A_117 = arith.constant 2 : i32
      %mul3A_118 = arith.muli %scan3A_99, %mul3A_117 : i32
      %add3A_119 = arith.constant 1 : i32
      %add3A_120 = arith.addi %mul3A_118, %add3A_119 : i32
      %dma_wait3A_121 = arith.constant 0 : i32
      %dma_wait3A_122 = tpu.memref_slice %arg7[%add3A_120, %dma_wait3A_121] : memref<40x128xi32, #tpu.memory_space<vmem>> -> memref<1x128xi32, #tpu.memory_space<vmem>>
      %dma_wait3A_123 = tpu.memref_squeeze %dma_wait3A_122 : memref<1x128xi32, #tpu.memory_space<vmem>> -> memref<128xi32, #tpu.memory_space<vmem>>
      %dma_wait3A_124 = arith.constant 0 : i32
      %dma_wait3A_125 = arith.constant 0 : i32
      %dma_wait3A_126 = tpu.memref_slice %arg2[%dma_wait3A_124, %dma_wait3A_125] : memref<10240x128xf32, #tpu.memory_space<hbm>> -> memref<10240x128xf32, #tpu.memory_space<hbm>>
      tpu.wait_indirect_dma semaphore(%arg13 : memref<!tpu.dma_semaphore, #tpu.memory_space<semaphore_mem>>) src(%dma_wait3A_126 : memref<10240x128xf32, #tpu.memory_space<hbm>>) dst(%arg10 : memref<128x128xf32, #tpu.memory_space<vmem>>)
      %dma_start3A_127 = arith.constant 0 : i32
      %dma_start3A_128 = tpu.memref_slice %arg8[%add3A_120, %dma_start3A_127] : memref<40x128xi32, #tpu.memory_space<vmem>> -> memref<1x128xi32, #tpu.memory_space<vmem>>
      %dma_start3A_129 = tpu.memref_squeeze %dma_start3A_128 : memref<1x128xi32, #tpu.memory_space<vmem>> -> memref<128xi32, #tpu.memory_space<vmem>>
      %dma_start3A_130 = arith.constant 0 : i32
      %dma_start3A_131 = arith.constant 0 : i32
      %dma_start3A_132 = tpu.memref_slice %arg11[%dma_start3A_130, %dma_start3A_131] : memref<10240x128xf32, #tpu.memory_space<vmem_shared>> -> memref<10240x128xf32, #tpu.memory_space<vmem_shared>>
      tpu.enqueue_indirect_dma source(%arg10 : memref<128x128xf32, #tpu.memory_space<vmem>>) target(%dma_start3A_132 : memref<10240x128xf32, #tpu.memory_space<vmem_shared>>) offsets(%dma_start3A_129 : memref<128xi32, #tpu.memory_space<vmem>>) semaphore(%arg15 : memref<!tpu.dma_semaphore, #tpu.memory_space<semaphore_mem>>) {add = true}
      %mul3A_133 = arith.constant 2 : i32
      %mul3A_134 = arith.muli %scan3A_99, %mul3A_133 : i32
      %add3A_135 = arith.constant 0 : i32
      %add3A_136 = arith.addi %mul3A_134, %add3A_135 : i32
      %dma_wait3A_137 = arith.constant 0 : i32
      %dma_wait3A_138 = tpu.memref_slice %arg8[%add3A_104, %dma_wait3A_137] : memref<40x128xi32, #tpu.memory_space<vmem>> -> memref<1x128xi32, #tpu.memory_space<vmem>>
      %dma_wait3A_139 = tpu.memref_squeeze %dma_wait3A_138 : memref<1x128xi32, #tpu.memory_space<vmem>> -> memref<128xi32, #tpu.memory_space<vmem>>
      %dma_wait3A_140 = arith.constant 0 : i32
      %dma_wait3A_141 = arith.constant 0 : i32
      %dma_wait3A_142 = tpu.memref_slice %arg11[%dma_wait3A_140, %dma_wait3A_141] : memref<10240x128xf32, #tpu.memory_space<vmem_shared>> -> memref<10240x128xf32, #tpu.memory_space<vmem_shared>>
      tpu.wait_indirect_dma semaphore(%arg14 : memref<!tpu.dma_semaphore, #tpu.memory_space<semaphore_mem>>) src(%arg9 : memref<128x128xf32, #tpu.memory_space<vmem>>) dst(%dma_wait3A_142 : memref<10240x128xf32, #tpu.memory_space<vmem_shared>>)
      %add3A_143 = arith.constant 2 : i32
      %add3A_144 = arith.addi %add3A_136, %add3A_143 : i32
      %dma_start3A_145 = arith.constant 0 : i32
      %dma_start3A_146 = tpu.memref_slice %arg7[%add3A_144, %dma_start3A_145] : memref<40x128xi32, #tpu.memory_space<vmem>> -> memref<1x128xi32, #tpu.memory_space<vmem>>
      %dma_start3A_147 = tpu.memref_squeeze %dma_start3A_146 : memref<1x128xi32, #tpu.memory_space<vmem>> -> memref<128xi32, #tpu.memory_space<vmem>>
      %dma_start3A_148 = arith.constant 0 : i32
      %dma_start3A_149 = arith.constant 0 : i32
      %dma_start3A_150 = tpu.memref_slice %arg2[%dma_start3A_148, %dma_start3A_149] : memref<10240x128xf32, #tpu.memory_space<hbm>> -> memref<10240x128xf32, #tpu.memory_space<hbm>>
      tpu.enqueue_indirect_dma source(%dma_start3A_150 : memref<10240x128xf32, #tpu.memory_space<hbm>>) target(%arg9 : memref<128x128xf32, #tpu.memory_space<vmem>>) offsets(%dma_start3A_147 : memref<128xi32, #tpu.memory_space<vmem>>) semaphore(%arg12 : memref<!tpu.dma_semaphore, #tpu.memory_space<semaphore_mem>>)
      %mul3A_151 = arith.constant 2 : i32
      %mul3A_152 = arith.muli %scan3A_99, %mul3A_151 : i32
      %add3A_153 = arith.constant 1 : i32
      %add3A_154 = arith.addi %mul3A_152, %add3A_153 : i32
      %dma_wait3A_155 = arith.constant 0 : i32
      %dma_wait3A_156 = tpu.memref_slice %arg8[%add3A_120, %dma_wait3A_155] : memref<40x128xi32, #tpu.memory_space<vmem>> -> memref<1x128xi32, #tpu.memory_space<vmem>>
      %dma_wait3A_157 = tpu.memref_squeeze %dma_wait3A_156 : memref<1x128xi32, #tpu.memory_space<vmem>> -> memref<128xi32, #tpu.memory_space<vmem>>
      %dma_wait3A_158 = arith.constant 0 : i32
      %dma_wait3A_159 = arith.constant 0 : i32
      %dma_wait3A_160 = tpu.memref_slice %arg11[%dma_wait3A_158, %dma_wait3A_159] : memref<10240x128xf32, #tpu.memory_space<vmem_shared>> -> memref<10240x128xf32, #tpu.memory_space<vmem_shared>>
      tpu.wait_indirect_dma semaphore(%arg15 : memref<!tpu.dma_semaphore, #tpu.memory_space<semaphore_mem>>) src(%arg10 : memref<128x128xf32, #tpu.memory_space<vmem>>) dst(%dma_wait3A_160 : memref<10240x128xf32, #tpu.memory_space<vmem_shared>>)
      %add3A_161 = arith.constant 2 : i32
      %add3A_162 = arith.addi %add3A_154, %add3A_161 : i32
      %dma_start3A_163 = arith.constant 0 : i32
      %dma_start3A_164 = tpu.memref_slice %arg7[%add3A_162, %dma_start3A_163] : memref<40x128xi32, #tpu.memory_space<vmem>> -> memref<1x128xi32, #tpu.memory_space<vmem>>
      %dma_start3A_165 = tpu.memref_squeeze %dma_start3A_164 : memref<1x128xi32, #tpu.memory_space<vmem>> -> memref<128xi32, #tpu.memory_space<vmem>>
      %dma_start3A_166 = arith.constant 0 : i32
      %dma_start3A_167 = arith.constant 0 : i32
      %dma_start3A_168 = tpu.memref_slice %arg2[%dma_start3A_166, %dma_start3A_167] : memref<10240x128xf32, #tpu.memory_space<hbm>> -> memref<10240x128xf32, #tpu.memory_space<hbm>>
      tpu.enqueue_indirect_dma source(%dma_start3A_168 : memref<10240x128xf32, #tpu.memory_space<hbm>>) target(%arg10 : memref<128x128xf32, #tpu.memory_space<vmem>>) offsets(%dma_start3A_165 : memref<128xi32, #tpu.memory_space<vmem>>) semaphore(%arg13 : memref<!tpu.dma_semaphore, #tpu.memory_space<semaphore_mem>>)
      %scan3A_169 = arith.constant 0 : i32
      scf.yield %scan3A_169 : i32
    }
    %scan3A_74 = arith.constant 19 : i32
    %dma_wait3A_75 = arith.constant 38 : i32
    %dma_wait3A_76 = arith.constant 0 : i32
    %dma_wait3A_77 = tpu.memref_slice %arg7[%dma_wait3A_75, %dma_wait3A_76] : memref<40x128xi32, #tpu.memory_space<vmem>> -> memref<1x128xi32, #tpu.memory_space<vmem>>
    %dma_wait3A_78 = tpu.memref_squeeze %dma_wait3A_77 : memref<1x128xi32, #tpu.memory_space<vmem>> -> memref<128xi32, #tpu.memory_space<vmem>>
    %dma_wait3A_79 = arith.constant 0 : i32
    %dma_wait3A_80 = arith.constant 0 : i32
    %dma_wait3A_81 = tpu.memref_slice %arg2[%dma_wait3A_79, %dma_wait3A_80] : memref<10240x128xf32, #tpu.memory_space<hbm>> -> memref<10240x128xf32, #tpu.memory_space<hbm>>
    tpu.wait_indirect_dma semaphore(%arg12 : memref<!tpu.dma_semaphore, #tpu.memory_space<semaphore_mem>>) src(%dma_wait3A_81 : memref<10240x128xf32, #tpu.memory_space<hbm>>) dst(%arg9 : memref<128x128xf32, #tpu.memory_space<vmem>>)
    %run_scoped3A_82 = arith.constant 38 : i32
    "tpu.region"() ({
      %run_scoped3A_99 = tpu.sem_alloc : memref<!tpu.dma_semaphore, #tpu.memory_space<semaphore_mem>>
      %dma_start3A_100 = arith.constant 0 : i32
      %dma_start3A_101 = tpu.memref_slice %arg8[%run_scoped3A_82, %dma_start3A_100] : memref<40x128xi32, #tpu.memory_space<vmem>> -> memref<1x128xi32, #tpu.memory_space<vmem>>
      %dma_start3A_102 = tpu.memref_squeeze %dma_start3A_101 : memref<1x128xi32, #tpu.memory_space<vmem>> -> memref<128xi32, #tpu.memory_space<vmem>>
      %dma_start3A_103 = arith.constant 0 : i32
      %dma_start3A_104 = arith.constant 0 : i32
      %dma_start3A_105 = tpu.memref_slice %arg11[%dma_start3A_103, %dma_start3A_104] : memref<10240x128xf32, #tpu.memory_space<vmem_shared>> -> memref<10240x128xf32, #tpu.memory_space<vmem_shared>>
      tpu.enqueue_indirect_dma source(%arg9 : memref<128x128xf32, #tpu.memory_space<vmem>>) target(%dma_start3A_105 : memref<10240x128xf32, #tpu.memory_space<vmem_shared>>) offsets(%dma_start3A_102 : memref<128xi32, #tpu.memory_space<vmem>>) semaphore(%run_scoped3A_99 : memref<!tpu.dma_semaphore, #tpu.memory_space<semaphore_mem>>) {add = true}
      %dma_wait3A_106 = arith.constant 0 : i32
      %dma_wait3A_107 = tpu.memref_slice %arg8[%run_scoped3A_82, %dma_wait3A_106] : memref<40x128xi32, #tpu.memory_space<vmem>> -> memref<1x128xi32, #tpu.memory_space<vmem>>
      %dma_wait3A_108 = tpu.memref_squeeze %dma_wait3A_107 : memref<1x128xi32, #tpu.memory_space<vmem>> -> memref<128xi32, #tpu.memory_space<vmem>>
      %dma_wait3A_109 = arith.constant 0 : i32
      %dma_wait3A_110 = arith.constant 0 : i32
      %dma_wait3A_111 = tpu.memref_slice %arg11[%dma_wait3A_109, %dma_wait3A_110] : memref<10240x128xf32, #tpu.memory_space<vmem_shared>> -> memref<10240x128xf32, #tpu.memory_space<vmem_shared>>
      tpu.wait_indirect_dma semaphore(%run_scoped3A_99 : memref<!tpu.dma_semaphore, #tpu.memory_space<semaphore_mem>>) src(%arg9 : memref<128x128xf32, #tpu.memory_space<vmem>>) dst(%dma_wait3A_111 : memref<10240x128xf32, #tpu.memory_space<vmem_shared>>)
      tpu.yield
    }) : () -> ()
    %dma_wait3A_83 = arith.constant 39 : i32
    %dma_wait3A_84 = arith.constant 0 : i32
    %dma_wait3A_85 = tpu.memref_slice %arg7[%dma_wait3A_83, %dma_wait3A_84] : memref<40x128xi32, #tpu.memory_space<vmem>> -> memref<1x128xi32, #tpu.memory_space<vmem>>
    %dma_wait3A_86 = tpu.memref_squeeze %dma_wait3A_85 : memref<1x128xi32, #tpu.memory_space<vmem>> -> memref<128xi32, #tpu.memory_space<vmem>>
    %dma_wait3A_87 = arith.constant 0 : i32
    %dma_wait3A_88 = arith.constant 0 : i32
    %dma_wait3A_89 = tpu.memref_slice %arg2[%dma_wait3A_87, %dma_wait3A_88] : memref<10240x128xf32, #tpu.memory_space<hbm>> -> memref<10240x128xf32, #tpu.memory_space<hbm>>
    tpu.wait_indirect_dma semaphore(%arg13 : memref<!tpu.dma_semaphore, #tpu.memory_space<semaphore_mem>>) src(%dma_wait3A_89 : memref<10240x128xf32, #tpu.memory_space<hbm>>) dst(%arg10 : memref<128x128xf32, #tpu.memory_space<vmem>>)
    %run_scoped3A_90 = arith.constant 39 : i32
    "tpu.region"() ({
      %run_scoped3A_99 = tpu.sem_alloc : memref<!tpu.dma_semaphore, #tpu.memory_space<semaphore_mem>>
      %dma_start3A_100 = arith.constant 0 : i32
      %dma_start3A_101 = tpu.memref_slice %arg8[%run_scoped3A_90, %dma_start3A_100] : memref<40x128xi32, #tpu.memory_space<vmem>> -> memref<1x128xi32, #tpu.memory_space<vmem>>
      %dma_start3A_102 = tpu.memref_squeeze %dma_start3A_101 : memref<1x128xi32, #tpu.memory_space<vmem>> -> memref<128xi32, #tpu.memory_space<vmem>>
      %dma_start3A_103 = arith.constant 0 : i32
      %dma_start3A_104 = arith.constant 0 : i32
      %dma_start3A_105 = tpu.memref_slice %arg11[%dma_start3A_103, %dma_start3A_104] : memref<10240x128xf32, #tpu.memory_space<vmem_shared>> -> memref<10240x128xf32, #tpu.memory_space<vmem_shared>>
      tpu.enqueue_indirect_dma source(%arg10 : memref<128x128xf32, #tpu.memory_space<vmem>>) target(%dma_start3A_105 : memref<10240x128xf32, #tpu.memory_space<vmem_shared>>) offsets(%dma_start3A_102 : memref<128xi32, #tpu.memory_space<vmem>>) semaphore(%run_scoped3A_99 : memref<!tpu.dma_semaphore, #tpu.memory_space<semaphore_mem>>) {add = true}
      %dma_wait3A_106 = arith.constant 0 : i32
      %dma_wait3A_107 = tpu.memref_slice %arg8[%run_scoped3A_90, %dma_wait3A_106] : memref<40x128xi32, #tpu.memory_space<vmem>> -> memref<1x128xi32, #tpu.memory_space<vmem>>
      %dma_wait3A_108 = tpu.memref_squeeze %dma_wait3A_107 : memref<1x128xi32, #tpu.memory_space<vmem>> -> memref<128xi32, #tpu.memory_space<vmem>>
      %dma_wait3A_109 = arith.constant 0 : i32
      %dma_wait3A_110 = arith.constant 0 : i32
      %dma_wait3A_111 = tpu.memref_slice %arg11[%dma_wait3A_109, %dma_wait3A_110] : memref<10240x128xf32, #tpu.memory_space<vmem_shared>> -> memref<10240x128xf32, #tpu.memory_space<vmem_shared>>
      tpu.wait_indirect_dma semaphore(%run_scoped3A_99 : memref<!tpu.dma_semaphore, #tpu.memory_space<semaphore_mem>>) src(%arg10 : memref<128x128xf32, #tpu.memory_space<vmem>>) dst(%dma_wait3A_111 : memref<10240x128xf32, #tpu.memory_space<vmem_shared>>)
      tpu.yield
    }) : () -> ()
    %barrier3A_91 = arith.constant 0 : index
    tpu.barrier barrier_id(%barrier3A_91)
    %mul3A_92 = arith.constant 640 : i32
    %mul3A_93 = arith.muli %arg1, %mul3A_92 : i32
    %mul3A_94 = arith.constant 10240 : i32
    %mul3A_95 = arith.muli %arg0, %mul3A_94 : i32
    %mul3A_96 = arith.constant 640 : i32
    %mul3A_97 = arith.muli %arg1, %mul3A_96 : i32
    %add3A_98 = arith.addi %mul3A_95, %mul3A_97 : i32
    "tpu.region"() ({
      %run_scoped3A_99 = tpu.sem_alloc : memref<!tpu.dma_semaphore, #tpu.memory_space<semaphore_mem>>
      %dma_start3A_100 = arith.constant 0 : i32
      %dma_start3A_101 = tpu.memref_slice %arg6[%add3A_98, %dma_start3A_100] : memref<20480x128xf32, #tpu.memory_space<hbm>> -> memref<640x128xf32, #tpu.memory_space<hbm>>
      %dma_start3A_102 = arith.constant 0 : i32
      %dma_start3A_103 = tpu.memref_slice %arg11[%mul3A_93, %dma_start3A_102] : memref<10240x128xf32, #tpu.memory_space<vmem_shared>> -> memref<640x128xf32, #tpu.memory_space<vmem_shared>>
      tpu.enqueue_dma source(%dma_start3A_103 : memref<640x128xf32, #tpu.memory_space<vmem_shared>>) target(%dma_start3A_101 : memref<640x128xf32, #tpu.memory_space<hbm>>) target_semaphore(%run_scoped3A_99 : memref<!tpu.dma_semaphore, #tpu.memory_space<semaphore_mem>>)
      %dma_wait3A_104 = arith.constant 0 : i32
      %dma_wait3A_105 = tpu.memref_slice %arg6[%add3A_98, %dma_wait3A_104] : memref<20480x128xf32, #tpu.memory_space<hbm>> -> memref<640x128xf32, #tpu.memory_space<hbm>>
      %dma_wait3A_106 = arith.constant 0 : i32
      %dma_wait3A_107 = tpu.memref_slice %arg11[%mul3A_93, %dma_wait3A_106] : memref<10240x128xf32, #tpu.memory_space<vmem_shared>> -> memref<640x128xf32, #tpu.memory_space<vmem_shared>>
      tpu.wait_dma2 semaphore(%run_scoped3A_99 : memref<!tpu.dma_semaphore, #tpu.memory_space<semaphore_mem>>) src(%dma_wait3A_107 : memref<640x128xf32, #tpu.memory_space<vmem_shared>>) dst(%dma_wait3A_105 : memref<640x128xf32, #tpu.memory_space<hbm>>)
      tpu.yield
    }) : () -> ()
    return
  }
}

module attributes {stable_mosaic.version = 14 : i64} {
  func.func @body(%arg0: i32, %arg1: memref<1024x16xf32, #tpu.memory_space<vmem>>, %arg2: memref<1024x16xf32, #tpu.memory_space<vmem>>, %arg3: memref<1024x128xf32, #tpu.memory_space<vmem>>, %arg4: memref<128x128xf32, #tpu.memory_space<vmem>>, %arg5: memref<1024x128xf32, #tpu.memory_space<vmem>>, %arg6: memref<1024x16xf32, #tpu.memory_space<vmem>>) attributes {dimension_semantics = [#tpu.dimension_semantics<arbitrary>], iteration_bounds = array<i64: 10>, scalar_prefetch = 0 : i64, scratch_operands = 0 : i64, tpu.core_type = #tpu.core_type<tc>, window_params = [{transform_indices = @transform_0, window_bounds = array<i64: 1024, 16>}, {transform_indices = @transform_1, window_bounds = array<i64: 1024, 16>}, {transform_indices = @transform_2, window_bounds = array<i64: 1024, 128>}, {pipeline_mode = #tpu.pipeline_mode<synchronous>, transform_indices = @transform_3, window_bounds = array<i64: 128, 128>}, {transform_indices = @transform_4, window_bounds = array<i64: 1024, 128>}, {transform_indices = @transform_5, window_bounds = array<i64: 1024, 16>}]} {
    %get3A = arith.constant 0 : index
    %get3A_0 = arith.constant 0 : index
    %get3A_1 = vector.load %arg1[%get3A, %get3A_0] : memref<1024x16xf32, #tpu.memory_space<vmem>>, vector<1024x1xf32>
    %get3A_2 = arith.constant 0 : index
    %get3A_3 = arith.constant 0 : index
    %get3A_4 = vector.load %arg2[%get3A_2, %get3A_3] : memref<1024x16xf32, #tpu.memory_space<vmem>>, vector<1024x1xf32>
    %add3A = arith.addf %get3A_1, %get3A_4 : vector<1024x1xf32>
    %add3A_5 = arith.constant 1.000000e+00 : f32
    %add3A_6 = vector.broadcast %add3A_5 : f32 to vector<1024x1xf32>
    %add3A_7 = arith.addf %add3A, %add3A_6 : vector<1024x1xf32>
    %rsqrt3A = math.rsqrt %add3A_7 : vector<1024x1xf32>
    %get3A_8 = arith.constant 0 : index
    %get3A_9 = arith.constant 0 : index
    %get3A_10 = vector.load %arg3[%get3A_8, %get3A_9] : memref<1024x128xf32, #tpu.memory_space<vmem>>, vector<1024x128xf32>
    %get3A_11 = arith.constant 0 : index
    %get3A_12 = arith.constant 0 : index
    %get3A_13 = vector.load %arg4[%get3A_11, %get3A_12] : memref<128x128xf32, #tpu.memory_space<vmem>>, vector<128x128xf32>
    %dot_general3A = arith.constant dense<0.000000e+00> : vector<1024x128xf32>
    %dot_general3A_14 = tpu.matmul %get3A_10, %get3A_13, %dot_general3A {dimension_numbers = #tpu.dot_dimension_numbers<[1], [0], [0], [1], [0, 0, 1, 1], [], []>, precision = #tpu.contract_precision<fp32>, transpose_lhs_hint = false} : vector<1024x128xf32>, vector<128x128xf32>, vector<1024x128xf32> -> vector<1024x128xf32>
    %mul3A = vector.broadcast %rsqrt3A : vector<1024x1xf32> to vector<1024x128xf32>
    %mul3A_15 = arith.mulf %dot_general3A_14, %mul3A : vector<1024x128xf32>
    %swap3A = arith.constant 0 : index
    %swap3A_16 = arith.constant 0 : index
    %swap3A_17 = vector.load %arg5[%swap3A, %swap3A_16] : memref<1024x128xf32, #tpu.memory_space<vmem>>, vector<1024x128xf32>
    tpu.vector_store %arg5[%swap3A, %swap3A_16], %mul3A_15 {strides = array<i32>} : memref<1024x128xf32, #tpu.memory_space<vmem>>, vector<1024x128xf32>,
    %broadcast_in_dim3A = vector.shape_cast %rsqrt3A : vector<1024x1xf32> to vector<1024x1xf32>
    %broadcast_in_dim3A_18 = vector.broadcast %broadcast_in_dim3A : vector<1024x1xf32> to vector<1024x16xf32>
    %swap3A_19 = arith.constant 0 : index
    %swap3A_20 = arith.constant 0 : index
    %swap3A_21 = vector.load %arg6[%swap3A_19, %swap3A_20] : memref<1024x16xf32, #tpu.memory_space<vmem>>, vector<1024x16xf32>
    tpu.vector_store %arg6[%swap3A_19, %swap3A_20], %broadcast_in_dim3A_18 {strides = array<i32>} : memref<1024x16xf32, #tpu.memory_space<vmem>>, vector<1024x16xf32>,
    return
  }
  func.func @transform_0(%arg0: i32) -> (i32, i32) {
    %c0_i32 = arith.constant 0 : i32
    %c0_i32_0 = arith.constant 0 : i32
    return %arg0, %c0_i32 : i32, i32
  }
  func.func @transform_1(%arg0: i32) -> (i32, i32) {
    %c0_i32 = arith.constant 0 : i32
    %c0_i32_0 = arith.constant 0 : i32
    return %arg0, %c0_i32 : i32, i32
  }
  func.func @transform_2(%arg0: i32) -> (i32, i32) {
    %c0_i32 = arith.constant 0 : i32
    %c0_i32_0 = arith.constant 0 : i32
    return %arg0, %c0_i32 : i32, i32
  }
  func.func @transform_3(%arg0: i32) -> (i32, i32) {
    %c0_i32 = arith.constant 0 : i32
    %c0_i32_0 = arith.constant 0 : i32
    %c0_i32_1 = arith.constant 0 : i32
    return %c0_i32, %c0_i32_0 : i32, i32
  }
  func.func @transform_4(%arg0: i32) -> (i32, i32) {
    %c0_i32 = arith.constant 0 : i32
    %c0_i32_0 = arith.constant 0 : i32
    return %arg0, %c0_i32 : i32, i32
  }
  func.func @transform_5(%arg0: i32) -> (i32, i32) {
    %c0_i32 = arith.constant 0 : i32
    %c0_i32_0 = arith.constant 0 : i32
    return %arg0, %c0_i32 : i32, i32
  }
}

module attributes {stable_mosaic.version = 14 : i64} {
  func.func @body(%arg0: i32, %arg1: memref<1024x128xf32, #tpu.memory_space<vmem>>, %arg2: memref<1024x128xf32, #tpu.memory_space<vmem>>, %arg3: memref<1024x128xf32, #tpu.memory_space<vmem>>, %arg4: memref<1024x16xf32, #tpu.memory_space<vmem>>, %arg5: memref<1x128xf32, #tpu.memory_space<vmem>>, %arg6: memref<128x64xf32, #tpu.memory_space<vmem>>, %arg7: memref<1024x64xf32, #tpu.memory_space<vmem>>) attributes {dimension_semantics = [#tpu.dimension_semantics<arbitrary>], iteration_bounds = array<i64: 10>, scalar_prefetch = 0 : i64, scratch_operands = 0 : i64, tpu.core_type = #tpu.core_type<tc>, window_params = [{transform_indices = @transform_0, window_bounds = array<i64: 1024, 128>}, {transform_indices = @transform_1, window_bounds = array<i64: 1024, 128>}, {transform_indices = @transform_2, window_bounds = array<i64: 1024, 128>}, {transform_indices = @transform_3, window_bounds = array<i64: 1024, 16>}, {pipeline_mode = #tpu.pipeline_mode<synchronous>, transform_indices = @transform_4, window_bounds = array<i64: 1, 128>}, {pipeline_mode = #tpu.pipeline_mode<synchronous>, transform_indices = @transform_5, window_bounds = array<i64: 128, 64>}, {transform_indices = @transform_6, window_bounds = array<i64: 1024, 64>}]} {
    %get3A = arith.constant 0 : index
    %get3A_0 = arith.constant 0 : index
    %get3A_1 = vector.load %arg4[%get3A, %get3A_0] : memref<1024x16xf32, #tpu.memory_space<vmem>>, vector<1024x1xf32>
    %get3A_2 = arith.constant 0 : index
    %get3A_3 = arith.constant 0 : index
    %get3A_4 = vector.load %arg1[%get3A_2, %get3A_3] : memref<1024x128xf32, #tpu.memory_space<vmem>>, vector<1024x128xf32>
    %get3A_5 = arith.constant 0 : index
    %get3A_6 = arith.constant 0 : index
    %get3A_7 = vector.load %arg2[%get3A_5, %get3A_6] : memref<1024x128xf32, #tpu.memory_space<vmem>>, vector<1024x128xf32>
    %add3A = arith.addf %get3A_4, %get3A_7 : vector<1024x128xf32>
    %get3A_8 = arith.constant 0 : index
    %get3A_9 = arith.constant 0 : index
    %get3A_10 = vector.load %arg3[%get3A_8, %get3A_9] : memref<1024x128xf32, #tpu.memory_space<vmem>>, vector<1024x128xf32>
    %add3A_11 = arith.addf %add3A, %get3A_10 : vector<1024x128xf32>
    %mul3A = vector.broadcast %get3A_1 : vector<1024x1xf32> to vector<1024x128xf32>
    %mul3A_12 = arith.mulf %add3A_11, %mul3A : vector<1024x128xf32>
    %get3A_13 = arith.constant 0 : index
    %get3A_14 = arith.constant 0 : index
    %get3A_15 = vector.load %arg5[%get3A_13, %get3A_14] : memref<1x128xf32, #tpu.memory_space<vmem>>, vector<1x128xf32>
    %add3A_16 = vector.broadcast %get3A_15 : vector<1x128xf32> to vector<1024x128xf32>
    %add3A_17 = arith.addf %mul3A_12, %add3A_16 : vector<1024x128xf32>
    %max3A = arith.constant 0.000000e+00 : f32
    %max3A_18 = vector.broadcast %max3A : f32 to vector<1024x128xf32>
    %max3A_19 = arith.maximumf %add3A_17, %max3A_18 : vector<1024x128xf32>
    %get3A_20 = arith.constant 0 : index
    %get3A_21 = arith.constant 0 : index
    %get3A_22 = vector.load %arg6[%get3A_20, %get3A_21] : memref<128x64xf32, #tpu.memory_space<vmem>>, vector<128x64xf32>
    %dot_general3A = arith.constant dense<0.000000e+00> : vector<1024x64xf32>
    %dot_general3A_23 = tpu.matmul %max3A_19, %get3A_22, %dot_general3A {dimension_numbers = #tpu.dot_dimension_numbers<[1], [0], [0], [1], [0, 0, 1, 1], [], []>, precision = #tpu.contract_precision<fp32>, transpose_lhs_hint = false} : vector<1024x128xf32>, vector<128x64xf32>, vector<1024x64xf32> -> vector<1024x64xf32>
    %mul3A_24 = vector.broadcast %get3A_1 : vector<1024x1xf32> to vector<1024x64xf32>
    %mul3A_25 = arith.mulf %dot_general3A_23, %mul3A_24 : vector<1024x64xf32>
    %swap3A = arith.constant 0 : index
    %swap3A_26 = arith.constant 0 : index
    %swap3A_27 = vector.load %arg7[%swap3A, %swap3A_26] : memref<1024x64xf32, #tpu.memory_space<vmem>>, vector<1024x64xf32>
    tpu.vector_store %arg7[%swap3A, %swap3A_26], %mul3A_25 {strides = array<i32>} : memref<1024x64xf32, #tpu.memory_space<vmem>>, vector<1024x64xf32>,
    return
  }
  func.func @transform_0(%arg0: i32) -> (i32, i32) {
    %c0_i32 = arith.constant 0 : i32
    %c0_i32_0 = arith.constant 0 : i32
    return %arg0, %c0_i32 : i32, i32
  }
  func.func @transform_1(%arg0: i32) -> (i32, i32) {
    %c0_i32 = arith.constant 0 : i32
    %c0_i32_0 = arith.constant 0 : i32
    return %arg0, %c0_i32 : i32, i32
  }
  func.func @transform_2(%arg0: i32) -> (i32, i32) {
    %c0_i32 = arith.constant 0 : i32
    %c0_i32_0 = arith.constant 0 : i32
    return %arg0, %c0_i32 : i32, i32
  }
  func.func @transform_3(%arg0: i32) -> (i32, i32) {
    %c0_i32 = arith.constant 0 : i32
    %c0_i32_0 = arith.constant 0 : i32
    return %arg0, %c0_i32 : i32, i32
  }
  func.func @transform_4(%arg0: i32) -> (i32, i32) {
    %c0_i32 = arith.constant 0 : i32
    %c0_i32_0 = arith.constant 0 : i32
    %c0_i32_1 = arith.constant 0 : i32
    return %c0_i32, %c0_i32_0 : i32, i32
  }
  func.func @transform_5(%arg0: i32) -> (i32, i32) {
    %c0_i32 = arith.constant 0 : i32
    %c0_i32_0 = arith.constant 0 : i32
    %c0_i32_1 = arith.constant 0 : i32
    return %c0_i32, %c0_i32_0 : i32, i32
  }
  func.func @transform_6(%arg0: i32) -> (i32, i32) {
    %c0_i32 = arith.constant 0 : i32
    %c0_i32_0 = arith.constant 0 : i32
    return %arg0, %c0_i32 : i32, i32
  }
}

module attributes {stable_mosaic.version = 14 : i64} {
  func.func @body(%arg0: i32, %arg1: memref<1024x64xf32, #tpu.memory_space<vmem>>, %arg2: memref<1024x64xf32, #tpu.memory_space<vmem>>, %arg3: memref<1024x64xf32, #tpu.memory_space<vmem>>, %arg4: memref<1024x16xf32, #tpu.memory_space<vmem>>, %arg5: memref<1x64xf32, #tpu.memory_space<vmem>>, %arg6: memref<1024x64xf32, #tpu.memory_space<vmem>>) attributes {dimension_semantics = [#tpu.dimension_semantics<arbitrary>], iteration_bounds = array<i64: 10>, scalar_prefetch = 0 : i64, scratch_operands = 0 : i64, tpu.core_type = #tpu.core_type<tc>, window_params = [{transform_indices = @transform_0, window_bounds = array<i64: 1024, 64>}, {transform_indices = @transform_1, window_bounds = array<i64: 1024, 64>}, {transform_indices = @transform_2, window_bounds = array<i64: 1024, 64>}, {transform_indices = @transform_3, window_bounds = array<i64: 1024, 16>}, {pipeline_mode = #tpu.pipeline_mode<synchronous>, transform_indices = @transform_4, window_bounds = array<i64: 1, 64>}, {transform_indices = @transform_5, window_bounds = array<i64: 1024, 64>}]} {
    %get3A = arith.constant 0 : index
    %get3A_0 = arith.constant 0 : index
    %get3A_1 = vector.load %arg4[%get3A, %get3A_0] : memref<1024x16xf32, #tpu.memory_space<vmem>>, vector<1024x1xf32>
    %get3A_2 = arith.constant 0 : index
    %get3A_3 = arith.constant 0 : index
    %get3A_4 = vector.load %arg1[%get3A_2, %get3A_3] : memref<1024x64xf32, #tpu.memory_space<vmem>>, vector<1024x64xf32>
    %get3A_5 = arith.constant 0 : index
    %get3A_6 = arith.constant 0 : index
    %get3A_7 = vector.load %arg2[%get3A_5, %get3A_6] : memref<1024x64xf32, #tpu.memory_space<vmem>>, vector<1024x64xf32>
    %add3A = arith.addf %get3A_4, %get3A_7 : vector<1024x64xf32>
    %get3A_8 = arith.constant 0 : index
    %get3A_9 = arith.constant 0 : index
    %get3A_10 = vector.load %arg3[%get3A_8, %get3A_9] : memref<1024x64xf32, #tpu.memory_space<vmem>>, vector<1024x64xf32>
    %add3A_11 = arith.addf %add3A, %get3A_10 : vector<1024x64xf32>
    %mul3A = vector.broadcast %get3A_1 : vector<1024x1xf32> to vector<1024x64xf32>
    %mul3A_12 = arith.mulf %add3A_11, %mul3A : vector<1024x64xf32>
    %get3A_13 = arith.constant 0 : index
    %get3A_14 = arith.constant 0 : index
    %get3A_15 = vector.load %arg5[%get3A_13, %get3A_14] : memref<1x64xf32, #tpu.memory_space<vmem>>, vector<1x64xf32>
    %add3A_16 = vector.broadcast %get3A_15 : vector<1x64xf32> to vector<1024x64xf32>
    %add3A_17 = arith.addf %mul3A_12, %add3A_16 : vector<1024x64xf32>
    %iota3A = tpu.iota {dimensions = array<i32: 1>} : vector<1024x64xi32>
    %lt3A = arith.constant 40 : i32
    %lt3A_18 = vector.broadcast %lt3A : i32 to vector<1024x64xi32>
    %lt3A_19 = arith.cmpi slt, %iota3A, %lt3A_18 : vector<1024x64xi32>
    %jit3A = arith.constant 0xFF800000 : f32
    %broadcast_in_dim3A = vector.broadcast %jit3A : f32 to vector<1024x64xf32>
    %select_n3A = arith.select %lt3A_19, %add3A_17, %broadcast_in_dim3A : vector<1024x64xi1>, vector<1024x64xf32>
    %reduce_max3A = arith.constant dense<0xFF800000> : vector<1024xf32>
    %reduce_max3A_20 = vector.multi_reduction <maximumf>, %select_n3A, %reduce_max3A [1] : vector<1024x64xf32> to vector<1024xf32>
    %broadcast_in_dim3A_21 = vector.shape_cast %reduce_max3A_20 : vector<1024xf32> to vector<1024x1xf32>
    %sub3A = vector.broadcast %broadcast_in_dim3A_21 : vector<1024x1xf32> to vector<1024x64xf32>
    %sub3A_22 = arith.subf %add3A_17, %sub3A : vector<1024x64xf32>
    %exp3A = math.exp %sub3A_22 : vector<1024x64xf32>
    %jit3A_23 = arith.constant 0.000000e+00 : f32
    %broadcast_in_dim3A_24 = vector.broadcast %jit3A_23 : f32 to vector<1024x64xf32>
    %select_n3A_25 = arith.select %lt3A_19, %exp3A, %broadcast_in_dim3A_24 : vector<1024x64xi1>, vector<1024x64xf32>
    %reduce_sum3A = arith.constant dense<0.000000e+00> : vector<1024xf32>
    %reduce_sum3A_26 = vector.multi_reduction <add>, %select_n3A_25, %reduce_sum3A [1] : vector<1024x64xf32> to vector<1024xf32>
    %broadcast_in_dim3A_27 = vector.shape_cast %reduce_sum3A_26 : vector<1024xf32> to vector<1024x1xf32>
    %log3A = math.log %broadcast_in_dim3A_27 : vector<1024x1xf32>
    %sub3A_28 = vector.broadcast %broadcast_in_dim3A_21 : vector<1024x1xf32> to vector<1024x64xf32>
    %sub3A_29 = arith.subf %add3A_17, %sub3A_28 : vector<1024x64xf32>
    %sub3A_30 = vector.broadcast %log3A : vector<1024x1xf32> to vector<1024x64xf32>
    %sub3A_31 = arith.subf %sub3A_29, %sub3A_30 : vector<1024x64xf32>
    %swap3A = arith.constant 0 : index
    %swap3A_32 = arith.constant 0 : index
    %swap3A_33 = vector.load %arg6[%swap3A, %swap3A_32] : memref<1024x64xf32, #tpu.memory_space<vmem>>, vector<1024x64xf32>
    tpu.vector_store %arg6[%swap3A, %swap3A_32], %sub3A_31 {strides = array<i32>} : memref<1024x64xf32, #tpu.memory_space<vmem>>, vector<1024x64xf32>,
    return
  }
  func.func @transform_0(%arg0: i32) -> (i32, i32) {
    %c0_i32 = arith.constant 0 : i32
    %c0_i32_0 = arith.constant 0 : i32
    return %arg0, %c0_i32 : i32, i32
  }
  func.func @transform_1(%arg0: i32) -> (i32, i32) {
    %c0_i32 = arith.constant 0 : i32
    %c0_i32_0 = arith.constant 0 : i32
    return %arg0, %c0_i32 : i32, i32
  }
  func.func @transform_2(%arg0: i32) -> (i32, i32) {
    %c0_i32 = arith.constant 0 : i32
    %c0_i32_0 = arith.constant 0 : i32
    return %arg0, %c0_i32 : i32, i32
  }
  func.func @transform_3(%arg0: i32) -> (i32, i32) {
    %c0_i32 = arith.constant 0 : i32
    %c0_i32_0 = arith.constant 0 : i32
    return %arg0, %c0_i32 : i32, i32
  }
  func.func @transform_4(%arg0: i32) -> (i32, i32) {
    %c0_i32 = arith.constant 0 : i32
    %c0_i32_0 = arith.constant 0 : i32
    %c0_i32_1 = arith.constant 0 : i32
    return %c0_i32, %c0_i32_0 : i32, i32
  }
  func.func @transform_5(%arg0: i32) -> (i32, i32) {
    %c0_i32 = arith.constant 0 : i32
    %c0_i32_0 = arith.constant 0 : i32
    return %arg0, %c0_i32 : i32, i32
  }
}

</mosaic_0001>

<sc_bundles>
// kernel: kernel.11.cloned.1.call-start
scs
__scs_entry_jumppad:
0x0: {  	(pc) =	sbr.rel $0x88, $3  }
0x1: {  	(tag) =	ssettag $0x0;
	lr =	simm.s32 $0x1  }
0x2: {  	[smem:$0x3F9B] =	sst lr;
	_ =	strace $0xD0000000  }
0x3: {  	_ = 	snop  }
0x4: {  	_ = 	snop  }
0x5: {  	_ = 	snop  }
0x6: {  	_ = 	snop  }
0x7: {  	_ = 	snop  }
__scs_overlays_trampoline_lowered:
0x8: {  	[smem:$0x3FAA] =	sst s0  }
0x9: {  	[smem:$0x3FAB] =	sst s1  }
0xa: {  	[smem:$0x3FAC] =	sst s2  }
0xb: {  	[smem:$0x3FAD] =	sst s3  }
0xc: {  	[smem:$0x3FAE] =	sst s4  }
0xd: {  	[smem:$0x3FAF] =	sst s5  }
0xe: {  	[smem:$0x3FB0] =	sst s6  }
0xf: {  	[smem:$0x3FB1] =	sst s7  }
0x10: {  	[smem:$0x3FB2] =	sst s8  }
0x11: {  	[smem:$0x3FB3] =	sst s9;
	s0 =	simm.s32 @!p0 $0x0  }
0x12: {  	s1 =	sld [smem:$0x3F99];
	s0 =	simm.s32 @p0 $0x1  }
0x13: {  	[smem:$0x3FB4] =	sst s0;
	s0 =	simm.s32 @!p1 $0x0  }
0x14: {  	s2 =	sld [smem:$0x3F98];
	s0 =	simm.s32 @p1 $0x1  }
0x15: {  	[smem:$0x3FB5] =	sst s0;
	s0 =	simm.s32 @!p2 $0x0  }
0x16: {  	s3 =	sld [smem:$0x3FDB];
	s0 =	simm.s32 @p2 $0x1  }
0x17: {  	s4 =	simm.s32 $0x1BF5;
	[smem:$0x3FB7] =	sst s0  }
0x18: {  	s0 =	sld [smem:$0x3F9A];
	_ =	swait.ge [sflag:s4], $0x0  }
0x19: {  	s7 =	sld [smem:$0x3F9B]  }
0x1a: {  	s8 =	sadd.s32 $0xFFFFE003, lr  }
0x1b: {  	s9 =	sadd.s32 $0xFFFFFEF7, lr;
	s5 =	simm.s32 $0xFFFFFFFF;
	p2 =	slt.u32 s8, $0xFFFFF086  }
0x1c: {  	p1 =	slt.u32 s9, $0xF7A;
	s5 =	simm.s32 @!p2 $0x0  }
0x1d: {  	s5 =	simm.s32 @p1 $0x1;
	p0 =	seq.s32 s7, s2  }
0x1e: {  	s7 =	smul.u32 @!p0 $0xF7A, s2;
	p2 =	seq.s32 @!p0 s5, $0x0  }
0x1f: {  	s9 =	smul.u32 $0xF7A, s1;
	s8 =	simm.s32 @!p0 $0x1BF5;
	p2 =	por !p2, p0  }
0x20: {  	[sflag:s8] =	ssyncset.s32 @!p0 $0xFFFFF086;
	s6 =	sadd.s32 @!p0 s3, s7;
	s7 =	simm.s32 @!p0 $0x108  }
0x21: {  	s3 =	sadd.s32 s3, s9;
	s6 =	sadd.s32 @!p0 $0x88, s6;
	s7 =	simm.s32 @p2 $0x1082  }
0x22: {  	[simem:s7], [sflag:s8] =	dma.local @!p0 [hbm:s6], $0xF7A  }
0x23: {  	s9 =	sor.u32 $0xD0000000, s2;
	s6 =	simm.s32 $0x108;
	_ =	swait.ge @!p0 [sflag:s8], $0x0  }
0x24: {  	s3 =	sadd.s32 $0x88, s3;
	s6 =	simm.s32 @!p1 $0x1082;
	[sflag:s4] =	ssyncset.s32 $0xFFFFF086  }
0x25: {  	[simem:s6], [sflag:s4] =	dma.local [hbm:s3], $0xF7A  }
0x26: {  	[smem:$0x3F9B] =	sst s1;
	(tag) =	ssettag s2;
	_ =	strace s9  }
0x27: {  	s1 =	sld [smem:$0x3FAB]  }
0x28: {  	s2 =	sld [smem:$0x3FAC]  }
0x29: {  	s4 =	sld [smem:$0x3FAE]  }
0x2a: {  	p0 =	seq.s32 s5, $0x0;
	s5 =	sld [smem:$0x3FAF]  }
0x2b: {  	s6 =	sld [smem:$0x3FB0]  }
0x2c: {  	s7 =	sld [smem:$0x3FB1]  }
0x2d: {  	s3 =	simm.s32 $0x108;
	s8 =	sld [smem:$0x3FB2]  }
0x2e: {  	s3 =	simm.s32 @!p0 $0x1082;
	s9 =	sld [smem:$0x3FB3]  }
0x2f: {  	lr =	sadd.s32 s0, s3;
	s0 =	sld [smem:$0x3FAA]  }
0x30: {  	s3 =	sld [smem:$0x3FAD]  }
0x31: {  	[smem:$0x3FB6] =	sst s10  }
0x32: {  	s10 =	sld [smem:$0x3FB4];
	_ =	sdelay $0x3  }
0x33: {  	p0 =	seq.s32 s10, $0x1;
	s10 =	sld [smem:$0x3FB6];
	_ =	sdelay $0x3  }
0x34: {  	[smem:$0x3FB6] =	sst s10  }
0x35: {  	s10 =	sld [smem:$0x3FB5];
	_ =	sdelay $0x3  }
0x36: {  	p1 =	seq.s32 s10, $0x1;
	s10 =	sld [smem:$0x3FB6];
	_ =	sdelay $0x3  }
0x37: {  	[smem:$0x3FB6] =	sst s10  }
0x38: {  	s10 =	sld [smem:$0x3FB7]  }
0x39: {  	_ = 	snop;
	(pc) =	sbr.ind lr, $3  }
0x3a: {  	_ = 	snop  }
0x3b: {  	_ = 	snop  }
0x3c: {  	p2 =	seq.s32 s10, $0x1;
	s10 =	sld [smem:$0x3FB6]  }
0x3d: {  	_ =	shalt  }
0x3e: {  	_ =	shalt  }
0x3f: {  	_ =	shalt  }
0x40: {  	_ =	shalt  }
0x41: {  	_ =	shalt  }
0x42: {  	_ =	shalt  }
0x43: {  	_ =	shalt  }
0x44: {  	_ =	shalt  }
0x45: {  	_ =	shalt  }
0x46: {  	_ =	shalt  }
0x47: {  	_ =	shalt  }
0x48: {  	_ =	shalt  }
0x49: {  	_ =	shalt  }
0x4a: {  	_ =	shalt  }
0x4b: {  	_ =	shalt  }
0x4c: {  	_ =	shalt  }
0x4d: {  	_ =	shalt  }
0x4e: {  	_ =	shalt  }
0x4f: {  	_ =	shalt  }
0x50: {  	_ =	shalt  }
0x51: {  	_ =	shalt  }
0x52: {  	_ =	shalt  }
0x53: {  	_ =	shalt  }
0x54: {  	_ =	shalt  }
0x55: {  	_ =	shalt  }
0x56: {  	_ =	shalt  }
0x57: {  	_ =	shalt  }
0x58: {  	_ =	shalt  }
0x59: {  	_ =	shalt  }
0x5a: {  	_ =	shalt  }
0x5b: {  	_ =	shalt  }
0x5c: {  	_ =	shalt  }
0x5d: {  	_ =	shalt  }
0x5e: {  	_ =	shalt  }
0x5f: {  	_ =	shalt  }
0x60: {  	_ =	shalt  }
0x61: {  	_ =	shalt  }
0x62: {  	_ =	shalt  }
0x63: {  	_ =	shalt  }
0x64: {  	_ =	shalt  }
0x65: {  	_ =	shalt  }
0x66: {  	_ =	shalt  }
0x67: {  	_ =	shalt  }
0x68: {  	_ =	shalt  }
0x69: {  	_ =	shalt  }
0x6a: {  	_ =	shalt  }
0x6b: {  	_ =	shalt  }
0x6c: {  	_ =	shalt  }
0x6d: {  	_ =	shalt  }
0x6e: {  	_ =	shalt  }
0x6f: {  	_ =	shalt  }
0x70: {  	_ =	shalt  }
0x71: {  	_ =	shalt  }
0x72: {  	_ =	shalt  }
0x73: {  	_ =	shalt  }
0x74: {  	_ =	shalt  }
0x75: {  	_ =	shalt  }
0x76: {  	_ =	shalt  }
0x77: {  	_ =	shalt  }
0x78: {  	_ =	shalt  }
0x79: {  	_ =	shalt  }
0x7a: {  	_ =	shalt  }
0x7b: {  	_ =	shalt  }
0x7c: {  	_ =	shalt  }
0x7d: {  	_ =	shalt  }
0x7e: {  	_ =	shalt  }
0x7f: {  	_ =	shalt  }
0x80: {  	_ =	shalt  }
0x81: {  	_ =	shalt  }
0x82: {  	_ =	shalt  }
0x83: {  	_ =	shalt  }
0x84: {  	_ =	shalt  }
0x85: {  	_ =	shalt  }
0x86: {  	_ =	shalt  }
0x87: {  	_ =	shalt  }
.Lfunc_end0:
.L_simem_size_0:
called_computation.1_lowered:
.L_overlay_start_0:
0x88: {  	s2 =	sld [smem:$0x3FD9]  }
0x89: {  	s3 =	sld [smem:$0x3FFE];
	_ =	sdelay $0x1  }
0x8a: {  	s1 =	srdreg.scid  }
0x8b: {  	s0 =	sand.u32 $0x1, s1  }
0x8c: {  	s17 =	sshll.u32 s0, $0xA;
	s2 =	sadd.s32 s3, s2  }
0x8d: {  	s2 =	sadd.s32 s2, s17  }
0x8e: {  	[smem:$0x3FC2] =	sst s2  }
0x8f: {  	_ = 	snop  }
0x90: {  	s2 =	sld [smem:$0x3FD0];
	(tm) =	ssettm $0x1  }
0x91: {  	s18 =	sld [smem:$0x3FFB];
	_ =	sdelay $0x3  }
0x92: {  	_ =	strace s18  }
0x93: {  	s3 =	sld [smem:$0x3FFC];
	_ =	sdelay $0x3  }
0x94: {  	_ =	strace s3  }
0x95: {  	s3 =	sld [smem:$0x3FFD];
	_ =	sdelay $0x3  }
0x96: {  	_ =	strace s3  }
0x97: {  	_ =	strace $0x8FFFFFFF  }
0x98: {  	s19 =	sld [smem:$0x3FDB];
	_ =	sdelay $0x1  }
0x99: {  	s4 =	simm.s32 $_scs_section_size  }
0x9a: {  	s5 =	simm.s32 $_size__tile_overlayer_lowered;
	s6 =	simm.s32 $_tile_overlayer_lowered  }
0x9b: {  	s22 =	simm.s32 $0x1BFF;
	s21 =	sshll.u32 s6, $0x1;
	s3 =	sadd.s32 s4, s19  }
0x9c: {  	s7 =	simm.s32 $0x0;
	s20 =	sshll.u32 s5, $0x1;
	s5 =	sadd.s32 s21, s3  }
0x9d: {  	[timem:s7], [sflag:s22] =	dma.local [hbm:s5], s20  }
0x9e: {  	_ =	swait.ge [sflag:s22], s20  }
0x9f: {  	s4 =	ssub.s32 $0x0, s20;
	[sflag:s22] =	ssyncset.done $0x0  }
0xa0: {  	[sflag:s22] =	ssyncadd.s32 s4;
	_ =	sdelay $0x1  }
0xa1: {  	s23 =	simm.s32 $0x1B8B  }
0xa2: {  	_ =	swait.ge [sflag:s23], $0x1  }
0xa3: {  	[sflag:s23] =	ssyncset.done $0x0  }
0xa4: {  	s25 =	simm.s32 $0x1B8E;
	s24 =	sld [smem:$0x3FFE];
	[sflag:s23] =	ssyncadd.s32 $0xFFFFFFFF  }
0xa5: {  	s26 =	simm.s32 $execute0_lowered;
	[smem:$0x3FD2] =	sst s25  }
0xa6: {  	s5 =	sshll.u32 s26, $0x1;
	_ =	strace $0x80000049;
	[dreg:$0x1] =	wrdreg $0xFFFFFFFF  }
0xa7: {  	s28 =	simm.s32 $_size_execute0_lowered;
	s3 =	sadd.s32 s3, s5;
	[dreg:$0x0] =	wrdreg $0x0  }
0xa8: {  	s5 =	sshll.u32 s28, $0x1;
	[dreg:$0x2] =	wrdreg s3  }
0xa9: {  	[dreg:$0x3] =	wrdreg s5  }
0xaa: {  	[dreg:$0x4] =	wrdreg $0xC0  }
0xab: {  	_ =	task [dreg:s7], $0x5FFFF  }
0xac: {  	[dreg:$0x1] =	wrdreg $0xFFFFFFFF  }
0xad: {  	[dreg:$0x0] =	wrdreg $0x60  }
0xae: {  	[dreg:$0x2] =	wrdreg s24  }
0xaf: {  	[dreg:$0x3] =	wrdreg s2  }
0xb0: {  	[dreg:$0x4] =	wrdreg $0xA8000  }
0xb1: {  	[dreg:$0x5] =	wrdreg $0x9  }
0xb2: {  	_ =	task.clear_ibuf [dreg:s7], $0x6FFFF;
	_ =	strace $0x90000049  }
0xb3: {  	s29 =	simm.s32 $0x9;
	_ =	strace $0x8000004B  }
0xb4: {  	_ =	swait.ge [sflag:s29], $0x1  }
0xb5: {  	[sflag:s29] =	ssyncadd.s32 $0xFFFFFFFF  }
0xb6: {  	_ =	strace $0x9000004B  }
0xb7: {  	_ =	sfence  }
0xb8: {  	s30 =	sld [smem:$0x0];
	_ =	sdelay $0x2  }
0xb9: {  	s31 =	sshll.u32 s1, $0xD;
	s1 =	sshrl.u32 s1, $0x2  }
0xba: {  	s3 =	sand.u32 $0x4000, s31;
	s1 =	sadd.s32 s1, s30  }
0xbb: {  	s0 =	sor.u32 s3, s0;
	s1 =	sshll.u32 s1, $0x11  }
0xbc: {  	s0 =	sor.u32 s1, s0  }
0xbd: {  	s0 =	sadd.s32 $0x8F2B, s0  }
0xbe: {  	[sflag:s0] =	ssyncadd.remote.s32 $0x1  }
0xbf: {  	_ =	sfence.sel $0xFFFF  }
0xc0: {  	[dreg:$0x0] =	wrdreg $0xFFFFFFFF;
	(pc) =	sbr.abs _section_cstart, $3  }
0xc1: {  	[dreg:$0x1] =	wrdreg $0xFFFFFFFF  }
0xc2: {  	_ =	task.clear_ibuf [dreg:s7], $0x2FFFF;
	_ =	strace $0x9FFFFFFF  }
0xc3: {  	(tm) =	ssettm $0x7FFFFFFF  }
tec
execute0_lowered:
.L_overlay_start_1:
0x0: {  	(tag) =	ssettag $0x1  }
0x1: {  	s5 =	rddreg [dreg:$0x0]  }
0x2: {  	s10 =	rddreg [dreg:$0x1]  }
0x3: {  	s2 =	rddreg [dreg:$0x2]  }
0x4: {  	s0 =	rddreg [dreg:$0x3]  }
0x5: {  	s1 =	stileid.u32;
	s4 =	srdreg.scid;
	s3 =	simm.s32 $0x0  }
0x6: {  	s16 =	simm.s32 $0x80;
	s17 =	simm.s32 $0x2800;
	s18 =	simm.s32 $0x6800  }
0x7: {  	s19 =	simm.s32 $0x1;
	s20 =	simm.s32 $0x2;
	s21 =	simm.s32 $0x3  }
0x8: {  	s22 =	simm.s32 $0x4;
	s23 =	simm.s32 $0x2700;
	s6 =	smul.u32 $0x2800, s1  }
0x9: {  	s7 =	sand.u32 $0x1, s4;
	[smem:$0x7FF] =	sst s3;
	s4 =	sadd.s32 $0x2200, s5  }
0xa: {  	s9 =	sadd.s32 $0x39400, s5;
	s24 =	smul.u32 $0x50000, s1;
	s12 =	sshll.u32 s1, $0x2  }
0xb: {  	s30 =	sshll.u32 s1, $0x6;
	s8 =	smul.u32 $0x28000, s7;
	_ =	strace $0x8000004A  }
0xc: {  	s13 =	sshll.u32 s7, $0x1;
	s25 =	ssub.s32 $0x2, s7;
	s11 =	sadd.s32 s6, s5  }
0xd: {  	s26 =	sor.u32 s13, s12;
	s7 =	sshrl.u32 s25, $0x1;
	s6 =	sadd.s32 s6, s8  }
0xe: {  	s8 =	sshrl.u32 s24, $0x2;
	s12 =	smul.u32 $0x1400, s26;
	s28 =	ssub.s32 s25, s7  }
0xf: {  	s29 =	smul.u32 $0x280, s26;
	s24 =	simm.s32 $0x2780;
	s25 =	simm.s32 $0x0  }
0x10: {  	s14 =	sadd.s32 s6, s5;
	s15 =	sadd.s32 s8, s2;
	s5 =	sadd.s32 $0x6B400, s11  }
0x11: {  	s6 =	sor.u32 $0x1C05, s30;
	s31 =	sshrl.u32 s12, $0x3;
	s7 =	sadd.s32 s9, s29  }
0x12: {  	s8 =	sadd.s32 s10, s29;
	s12 =	smax.u32 s28, $0x1;
	s11 =	sadd.s32 $0x280, s31  }
0x13: {  	s13 =	sshrl.u32 s15, $0x3;
	s15 =	simm.s32 $0x1400;
	s9 =	sadd.s32 s9, s11  }
0x14: {  	s10 =	sadd.s32 s10, s11;
	s11 =	sadd.s32 $0x93400, s14;
	s14 =	simm.s32 $0x5  }
.LBB2_1:
0x15: {  	[spmem:s13], [sflag:s6] =	dma.local [hbm:s5], $0x2800  }
0x16: {  	_ =	swait.ge [sflag:s14], $0x2800  }
0x17: {  	[sflag:s14] =	ssyncset.done $0x0  }
0x18: {  	[sflag:s14] =	ssyncadd.s32 $0xFFFFD800  }
0x19: {  	[bflag:$0x0] =	sbarrier.arrive $0xFFFF  }
0x1a: {  	[tilespmem:s3], [sflag:$0x5] =	stream.linear.gather [hbm4b:s7+s3], $0x1400, $0x38;
	[tilespmem:$0x1E800] =	vst v63  }
0x1b: {  	_ =	swait.ge [sflag:s14], $0x1400  }
0x1c: {  	[sflag:s14] =	ssyncset.done $0x0  }
0x1d: {  	[sflag:s14] =	ssyncadd.s32 $0xFFFFEC00  }
0x1e: {  	[tilespmem:s15], [sflag:$0x5] =	stream.linear.gather [hbm4b:s8+s3], $0x1400, $0x38;
	[tilespmem:$0x1E800] =	vst v63  }
0x1f: {  	_ =	swait.ge [sflag:s14], $0x1400  }
0x20: {  	[sflag:s14] =	ssyncset.done $0x0  }
0x21: {  	[sflag:s14] =	ssyncadd.s32 $0xFFFFEC00  }
0x22: {  	[tilespmem:s17], [sflag:$0x1] =	stream.indirect.gather [hbm4b:s4+s16], $0x80, s3, s16, $0xb8;
	[tilespmem:$0x1E800] =	vst v63  }
0x23: {  	_ = 	snop  }
0x24: {  	[tilespmem:s18], [sflag:$0x2] =	stream.indirect.gather [hbm4b:s4+s16], $0x80, s16, s16, $0xb8;
	[tilespmem:$0x1E800] =	vst v63  }
0x25: {  	_ =	swait.ge [sflag:s19], $0x4000  }
0x26: {  	[sflag:s19] =	ssyncset.done $0x0  }
0x27: {  	s26 =	simm.s32 $0x1400;
	[sflag:s19] =	ssyncadd.s32 $0xFFFFC000  }
0x28: {  	[spmem:s2] =	stream.indirect.scatter.add.f32 [tilespmem:s17], [sflag:$0x3], $0x80, s26, s16, $0xb8;
	[tilespmem:$0x1E800] =	vst v63  }
0x29: {  	_ =	swait.ge [sflag:s20], $0x4000  }
0x2a: {  	[sflag:s20] =	ssyncset.done $0x0  }
0x2b: {  	s30 =	simm.s32 $0x1480;
	[sflag:s20] =	ssyncadd.s32 $0xFFFFC000  }
0x2c: {  	[spmem:s2] =	stream.indirect.scatter.add.f32 [tilespmem:s18], [sflag:$0x4], $0x80, s30, s16, $0xb8;
	[tilespmem:$0x1E800] =	vst v63  }
0x2d: {  	_ =	swait.ge [sflag:s21], $0x4000  }
0x2e: {  	[sflag:s21] =	ssyncset.done $0x0  }
0x2f: {  	s31 =	simm.s32 $0x100;
	[sflag:s21] =	ssyncadd.s32 $0xFFFFC000  }
0x30: {  	[tilespmem:s17], [sflag:$0x1] =	stream.indirect.gather [hbm4b:s4+s16], $0x80, s31, s16, $0xb8;
	[tilespmem:$0x1E800] =	vst v63  }
0x31: {  	_ =	swait.ge [sflag:s22], $0x4000  }
0x32: {  	[sflag:s22] =	ssyncset.done $0x0  }
0x33: {  	s28 =	simm.s32 $0x180;
	s26 =	simm.s32 $0x400;
	[sflag:s22] =	ssyncadd.s32 $0xFFFFC000  }
.LBB2_2:
0x34: {  	[tilespmem:s18], [sflag:$0x2] =	stream.indirect.gather [hbm4b:s4+s16], $0x80, s28, s16, $0xb8;
	[tilespmem:$0x1E800] =	vst v63  }
0x35: {  	s28 =	smov.u32 s26  }
0x36: {  	p0 =	sne.s32 s26, $0x4800;
	s26 =	sadd.s32 $0x400, s26;
	_ =	swait.ge [sflag:s19], $0x4000  }
0x37: {  	s28 =	sshra.s32 s28, $0x2;
	[sflag:s19] =	ssyncset.done $0x0  }
0x38: {  	s29 =	sadd.s32 $0x1400, s28;
	[sflag:s19] =	ssyncadd.s32 $0xFFFFC000  }
0x39: {  	[spmem:s2] =	stream.indirect.scatter.add.f32 [tilespmem:s17], [sflag:$0x3], $0x80, s29, s16, $0xb8;
	[tilespmem:$0x1E800] =	vst v63  }
0x3a: {  	_ =	swait.ge [sflag:s20], $0x4000  }
0x3b: {  	[sflag:s20] =	ssyncset.done $0x0  }
0x3c: {  	s29 =	sadd.s32 $0x1480, s28;
	[sflag:s20] =	ssyncadd.s32 $0xFFFFC000  }
0x3d: {  	[spmem:s2] =	stream.indirect.scatter.add.f32 [tilespmem:s18], [sflag:$0x4], $0x80, s29, s16, $0xb8;
	[tilespmem:$0x1E800] =	vst v63  }
0x3e: {  	_ =	swait.ge [sflag:s21], $0x4000  }
0x3f: {  	[sflag:s21] =	ssyncset.done $0x0  }
.Ltmp0:
0x40: {  	s29 =	sadd.s32 $0x100, s28;
	[sflag:s21] =	ssyncadd.s32 $0xFFFFC000;
	(pc) =	sbr.rel @p0 .LBB2_2-.Ltmp0, $4  }
0x41: {  	[tilespmem:s17], [sflag:$0x1] =	stream.indirect.gather [hbm4b:s4+s16], $0x80, s29, s16, $0xb8;
	[tilespmem:$0x1E800] =	vst v63  }
0x42: {  	_ =	swait.ge [sflag:s22], $0x4000  }
0x43: {  	[sflag:s22] =	ssyncset.done $0x0  }
0x44: {  	s28 =	sadd.s32 $0x180, s28;
	[sflag:s22] =	ssyncadd.s32 $0xFFFFC000  }
0x45: {  	[tilespmem:s18], [sflag:$0x2] =	stream.indirect.gather [hbm4b:s4+s16], $0x80, s28, s16, $0xb8;
	[tilespmem:$0x1E800] =	vst v63  }
0x46: {  	_ =	swait.ge [sflag:s19], $0x4000  }
0x47: {  	[sflag:s19] =	ssyncset.done $0x0  }
0x48: {  	[sflag:s19] =	ssyncadd.s32 $0xFFFFC000  }
0x49: {  	[spmem:s2] =	stream.indirect.scatter.add.f32 [tilespmem:s17], [sflag:$0x5], $0x80, s23, s16, $0xb8;
	[tilespmem:$0x1E800] =	vst v63  }
0x4a: {  	_ =	swait.ge [sflag:s14], $0x4000  }
0x4b: {  	[sflag:s14] =	ssyncset.done $0x0  }
0x4c: {  	[sflag:s14] =	ssyncadd.s32 $0xFFFFC000  }
0x4d: {  	_ =	swait.ge [sflag:s20], $0x4000  }
0x4e: {  	[sflag:s20] =	ssyncset.done $0x0  }
0x4f: {  	[sflag:s20] =	ssyncadd.s32 $0xFFFFC000  }
0x50: {  	[spmem:s2] =	stream.indirect.scatter.add.f32 [tilespmem:s18], [sflag:$0x5], $0x80, s24, s16, $0xb8;
	[tilespmem:$0x1E800] =	vst v63  }
0x51: {  	_ =	swait.ge [sflag:s14], $0x4000  }
0x52: {  	[sflag:s14] =	ssyncset.done $0x0  }
0x53: {  	s26 =	simm.s32 $0x0;
	[sflag:s14] =	ssyncadd.s32 $0xFFFFC000  }
0x54: {  	[tilespmem:s26], [sflag:$0x5] =	stream.linear.gather [hbm4b:s9+s26], $0x1400, $0x38;
	[tilespmem:$0x1E800] =	vst v63  }
0x55: {  	_ =	swait.ge [sflag:s14], $0x1400  }
0x56: {  	[sflag:s14] =	ssyncset.done $0x0  }
0x57: {  	[sflag:s14] =	ssyncadd.s32 $0xFFFFEC00  }
0x58: {  	[tilespmem:s15], [sflag:$0x5] =	stream.linear.gather [hbm4b:s10+s26], $0x1400, $0x38;
	[tilespmem:$0x1E800] =	vst v63  }
0x59: {  	_ =	swait.ge [sflag:s14], $0x1400  }
0x5a: {  	[sflag:s14] =	ssyncset.done $0x0  }
0x5b: {  	[sflag:s14] =	ssyncadd.s32 $0xFFFFEC00  }
0x5c: {  	[tilespmem:s17], [sflag:$0x1] =	stream.indirect.gather [hbm4b:s4+s16], $0x80, s26, s16, $0xb8;
	[tilespmem:$0x1E800] =	vst v63  }
0x5d: {  	_ = 	snop  }
0x5e: {  	[tilespmem:s18], [sflag:$0x2] =	stream.indirect.gather [hbm4b:s4+s16], $0x80, s16, s16, $0xb8;
	[tilespmem:$0x1E800] =	vst v63  }
0x5f: {  	_ =	swait.ge [sflag:s19], $0x4000  }
0x60: {  	[sflag:s19] =	ssyncset.done $0x0  }
0x61: {  	s29 =	simm.s32 $0x1400;
	[sflag:s19] =	ssyncadd.s32 $0xFFFFC000  }
0x62: {  	[spmem:s2] =	stream.indirect.scatter.add.f32 [tilespmem:s17], [sflag:$0x3], $0x80, s29, s16, $0xb8;
	[tilespmem:$0x1E800] =	vst v63  }
0x63: {  	_ =	swait.ge [sflag:s20], $0x4000  }
0x64: {  	[sflag:s20] =	ssyncset.done $0x0  }
0x65: {  	s30 =	simm.s32 $0x1480;
	[sflag:s20] =	ssyncadd.s32 $0xFFFFC000  }
0x66: {  	[spmem:s2] =	stream.indirect.scatter.add.f32 [tilespmem:s18], [sflag:$0x4], $0x80, s30, s16, $0xb8;
	[tilespmem:$0x1E800] =	vst v63  }
0x67: {  	_ =	swait.ge [sflag:s21], $0x4000  }
0x68: {  	[sflag:s21] =	ssyncset.done $0x0  }
0x69: {  	s31 =	simm.s32 $0x100;
	[sflag:s21] =	ssyncadd.s32 $0xFFFFC000  }
0x6a: {  	[tilespmem:s17], [sflag:$0x1] =	stream.indirect.gather [hbm4b:s4+s16], $0x80, s31, s16, $0xb8;
	[tilespmem:$0x1E800] =	vst v63  }
0x6b: {  	_ =	swait.ge [sflag:s22], $0x4000  }
0x6c: {  	[sflag:s22] =	ssyncset.done $0x0  }
0x6d: {  	s28 =	simm.s32 $0x180;
	s26 =	simm.s32 $0x400;
	[sflag:s22] =	ssyncadd.s32 $0xFFFFC000  }
.LBB2_4:
0x6e: {  	[tilespmem:s18], [sflag:$0x2] =	stream.indirect.gather [hbm4b:s4+s16], $0x80, s28, s16, $0xb8;
	[tilespmem:$0x1E800] =	vst v63  }
0x6f: {  	s28 =	smov.u32 s26  }
0x70: {  	p0 =	sne.s32 s26, $0x4800;
	s26 =	sadd.s32 $0x400, s26;
	_ =	swait.ge [sflag:s19], $0x4000  }
0x71: {  	s28 =	sshra.s32 s28, $0x2;
	[sflag:s19] =	ssyncset.done $0x0  }
0x72: {  	s29 =	sadd.s32 $0x1400, s28;
	[sflag:s19] =	ssyncadd.s32 $0xFFFFC000  }
0x73: {  	[spmem:s2] =	stream.indirect.scatter.add.f32 [tilespmem:s17], [sflag:$0x3], $0x80, s29, s16, $0xb8;
	[tilespmem:$0x1E800] =	vst v63  }
0x74: {  	_ =	swait.ge [sflag:s20], $0x4000  }
0x75: {  	[sflag:s20] =	ssyncset.done $0x0  }
0x76: {  	s29 =	sadd.s32 $0x1480, s28;
	[sflag:s20] =	ssyncadd.s32 $0xFFFFC000  }
0x77: {  	[spmem:s2] =	stream.indirect.scatter.add.f32 [tilespmem:s18], [sflag:$0x4], $0x80, s29, s16, $0xb8;
	[tilespmem:$0x1E800] =	vst v63  }
0x78: {  	_ =	swait.ge [sflag:s21], $0x4000  }
0x79: {  	[sflag:s21] =	ssyncset.done $0x0  }
.Ltmp1:
0x7a: {  	s29 =	sadd.s32 $0x100, s28;
	[sflag:s21] =	ssyncadd.s32 $0xFFFFC000;
	(pc) =	sbr.rel @p0 .LBB2_4-.Ltmp1, $4  }
0x7b: {  	[tilespmem:s17], [sflag:$0x1] =	stream.indirect.gather [hbm4b:s4+s16], $0x80, s29, s16, $0xb8;
	[tilespmem:$0x1E800] =	vst v63  }
0x7c: {  	_ =	swait.ge [sflag:s22], $0x4000  }
0x7d: {  	[sflag:s22] =	ssyncset.done $0x0  }
0x7e: {  	s28 =	sadd.s32 $0x180, s28;
	[sflag:s22] =	ssyncadd.s32 $0xFFFFC000  }
0x7f: {  	[tilespmem:s18], [sflag:$0x2] =	stream.indirect.gather [hbm4b:s4+s16], $0x80, s28, s16, $0xb8;
	[tilespmem:$0x1E800] =	vst v63  }
0x80: {  	_ =	swait.ge [sflag:s19], $0x4000  }
0x81: {  	[sflag:s19] =	ssyncset.done $0x0  }
0x82: {  	[sflag:s19] =	ssyncadd.s32 $0xFFFFC000  }
0x83: {  	[spmem:s2] =	stream.indirect.scatter.add.f32 [tilespmem:s17], [sflag:$0x5], $0x80, s23, s16, $0xb8;
	[tilespmem:$0x1E800] =	vst v63  }
0x84: {  	_ =	swait.ge [sflag:s14], $0x4000  }
0x85: {  	[sflag:s14] =	ssyncset.done $0x0  }
0x86: {  	[sflag:s14] =	ssyncadd.s32 $0xFFFFC000  }
0x87: {  	_ =	swait.ge [sflag:s20], $0x4000  }
0x88: {  	[sflag:s20] =	ssyncset.done $0x0  }
0x89: {  	[sflag:s20] =	ssyncadd.s32 $0xFFFFC000  }
0x8a: {  	[spmem:s2] =	stream.indirect.scatter.add.f32 [tilespmem:s18], [sflag:$0x5], $0x80, s24, s16, $0xb8;
	[tilespmem:$0x1E800] =	vst v63  }
0x8b: {  	_ =	swait.ge [sflag:s14], $0x4000  }
0x8c: {  	s25 =	sadd.s32 $0x1, s25;
	[sflag:s14] =	ssyncset.done $0x0  }
0x8d: {  	p0 =	sne.s32 s25, s12;
	[sflag:s14] =	ssyncadd.s32 $0xFFFFC000  }
.Ltmp2:
0x8e: {  	[bflag:$0x0] =	sbarrier.arrive $0xFFFF;
	(pc) =	sbr.rel @p0 .LBB2_1-.Ltmp2, $4  }
0x8f: {  	[hbm:s11], [sflag:s6] =	dma.local [spmem:s13], $0x2800  }
0x90: {  	_ =	swait.ge [sflag:s14], $0x2800  }
0x91: {  	[sflag:s14] =	ssyncset.done $0x0  }
0x92: {  	[sflag:s14] =	ssyncadd.s32 $0xFFFFD800  }
0x93: {  	_ =	sfence.sel $0x180000  }
0x94: {  	[bflag:$0x0] =	sbarrier.arrive $0xFFFF  }
0x95: {  	p0 =	sne.s32 s1, $0x0;
	_ =	strace $0x9000004A  }
0x96: {  	s0 =	sadd.s32 @!p0 $0x100000, s0;
	[bflag:$0x2] =	sbarrier.arrive $0xFFFF  }
0x97: {  	[sflag:s0] =	ssyncadd.tile.s32 @!p0 $0x1;
	_ =	shalt  }
.Lfunc_end2:
_tile_overlayer_lowered:
.L_overlay_start_2:
0x98: {  	(tag) =	ssettag $0x2  }
0x99: {  	s0 =	rddreg [dreg:$0x0];
	s2 =	stileid.u32  }
0x9a: {  	s1 =	rddreg [dreg:$0x1];
	p0 =	sne.s32 s2, $0x0  }
0x9b: {  	s3 =	rddreg [dreg:$0x2];
	[bflag:$0x3] =	sbarrier.arrive $0xFFFF;
	s2 =	simm.s32 @!p0 $0x1C05  }
0x9c: {  	[timem:s3], [sflag:s2] =	dma.local @!p0 [hbm:s0], s1  }
0x9d: {  	s0 =	simm.s32 @!p0 $0x5  }
0x9e: {  	_ =	swait.ge @!p0 [sflag:s0], s1  }
0x9f: {  	s1 =	ssub.s32 @!p0 $0x0, s1;
	[sflag:s0] =	ssyncset.done @!p0 $0x0  }
0xa0: {  	[sflag:s0] =	ssyncadd.s32 @!p0 s1  }
0xa1: {  	[bflag:$0x3] =	sbarrier.arrive $0xFFFF  }
0xa2: {  	_ =	shalt  }

// kernel: kernel.14.cloned.1.call-start
scs
__scs_entry_jumppad:
0x0: {  	(pc) =	sbr.rel $0x88, $3  }
0x1: {  	(tag) =	ssettag $0x0;
	lr =	simm.s32 $0x1  }
0x2: {  	[smem:$0x3F9B] =	sst lr;
	_ =	strace $0xD0000000  }
0x3: {  	_ = 	snop  }
0x4: {  	_ = 	snop  }
0x5: {  	_ = 	snop  }
0x6: {  	_ = 	snop  }
0x7: {  	_ = 	snop  }
__scs_overlays_trampoline_lowered:
0x8: {  	[smem:$0x3FAA] =	sst s0  }
0x9: {  	[smem:$0x3FAB] =	sst s1  }
0xa: {  	[smem:$0x3FAC] =	sst s2  }
0xb: {  	[smem:$0x3FAD] =	sst s3  }
0xc: {  	[smem:$0x3FAE] =	sst s4  }
0xd: {  	[smem:$0x3FAF] =	sst s5  }
0xe: {  	[smem:$0x3FB0] =	sst s6  }
0xf: {  	[smem:$0x3FB1] =	sst s7  }
0x10: {  	[smem:$0x3FB2] =	sst s8  }
0x11: {  	[smem:$0x3FB3] =	sst s9;
	s0 =	simm.s32 @!p0 $0x0  }
0x12: {  	s1 =	sld [smem:$0x3F99];
	s0 =	simm.s32 @p0 $0x1  }
0x13: {  	[smem:$0x3FB4] =	sst s0;
	s0 =	simm.s32 @!p1 $0x0  }
0x14: {  	s2 =	sld [smem:$0x3F98];
	s0 =	simm.s32 @p1 $0x1  }
0x15: {  	[smem:$0x3FB5] =	sst s0;
	s0 =	simm.s32 @!p2 $0x0  }
0x16: {  	s3 =	sld [smem:$0x3FDB];
	s0 =	simm.s32 @p2 $0x1  }
0x17: {  	s4 =	simm.s32 $0x1BF5;
	[smem:$0x3FB7] =	sst s0  }
0x18: {  	s0 =	sld [smem:$0x3F9A];
	_ =	swait.ge [sflag:s4], $0x0  }
0x19: {  	s7 =	sld [smem:$0x3F9B]  }
0x1a: {  	s8 =	sadd.s32 $0xFFFFE003, lr  }
0x1b: {  	s9 =	sadd.s32 $0xFFFFFEF7, lr;
	s5 =	simm.s32 $0xFFFFFFFF;
	p2 =	slt.u32 s8, $0xFFFFF086  }
0x1c: {  	p1 =	slt.u32 s9, $0xF7A;
	s5 =	simm.s32 @!p2 $0x0  }
0x1d: {  	s5 =	simm.s32 @p1 $0x1;
	p0 =	seq.s32 s7, s2  }
0x1e: {  	s7 =	smul.u32 @!p0 $0xF7A, s2;
	p2 =	seq.s32 @!p0 s5, $0x0  }
0x1f: {  	s9 =	smul.u32 $0xF7A, s1;
	s8 =	simm.s32 @!p0 $0x1BF5;
	p2 =	por !p2, p0  }
0x20: {  	[sflag:s8] =	ssyncset.s32 @!p0 $0xFFFFF086;
	s6 =	sadd.s32 @!p0 s3, s7;
	s7 =	simm.s32 @!p0 $0x108  }
0x21: {  	s3 =	sadd.s32 s3, s9;
	s6 =	sadd.s32 @!p0 $0x88, s6;
	s7 =	simm.s32 @p2 $0x1082  }
0x22: {  	[simem:s7], [sflag:s8] =	dma.local @!p0 [hbm:s6], $0xF7A  }
0x23: {  	s9 =	sor.u32 $0xD0000000, s2;
	s6 =	simm.s32 $0x108;
	_ =	swait.ge @!p0 [sflag:s8], $0x0  }
0x24: {  	s3 =	sadd.s32 $0x88, s3;
	s6 =	simm.s32 @!p1 $0x1082;
	[sflag:s4] =	ssyncset.s32 $0xFFFFF086  }
0x25: {  	[simem:s6], [sflag:s4] =	dma.local [hbm:s3], $0xF7A  }
0x26: {  	[smem:$0x3F9B] =	sst s1;
	(tag) =	ssettag s2;
	_ =	strace s9  }
0x27: {  	s1 =	sld [smem:$0x3FAB]  }
0x28: {  	s2 =	sld [smem:$0x3FAC]  }
0x29: {  	s4 =	sld [smem:$0x3FAE]  }
0x2a: {  	p0 =	seq.s32 s5, $0x0;
	s5 =	sld [smem:$0x3FAF]  }
0x2b: {  	s6 =	sld [smem:$0x3FB0]  }
0x2c: {  	s7 =	sld [smem:$0x3FB1]  }
0x2d: {  	s3 =	simm.s32 $0x108;
	s8 =	sld [smem:$0x3FB2]  }
0x2e: {  	s3 =	simm.s32 @!p0 $0x1082;
	s9 =	sld [smem:$0x3FB3]  }
0x2f: {  	lr =	sadd.s32 s0, s3;
	s0 =	sld [smem:$0x3FAA]  }
0x30: {  	s3 =	sld [smem:$0x3FAD]  }
0x31: {  	[smem:$0x3FB6] =	sst s10  }
0x32: {  	s10 =	sld [smem:$0x3FB4];
	_ =	sdelay $0x3  }
0x33: {  	p0 =	seq.s32 s10, $0x1;
	s10 =	sld [smem:$0x3FB6];
	_ =	sdelay $0x3  }
0x34: {  	[smem:$0x3FB6] =	sst s10  }
0x35: {  	s10 =	sld [smem:$0x3FB5];
	_ =	sdelay $0x3  }
0x36: {  	p1 =	seq.s32 s10, $0x1;
	s10 =	sld [smem:$0x3FB6];
	_ =	sdelay $0x3  }
0x37: {  	[smem:$0x3FB6] =	sst s10  }
0x38: {  	s10 =	sld [smem:$0x3FB7]  }
0x39: {  	_ = 	snop;
	(pc) =	sbr.ind lr, $3  }
0x3a: {  	_ = 	snop  }
0x3b: {  	_ = 	snop  }
0x3c: {  	p2 =	seq.s32 s10, $0x1;
	s10 =	sld [smem:$0x3FB6]  }
0x3d: {  	_ =	shalt  }
0x3e: {  	_ =	shalt  }
0x3f: {  	_ =	shalt  }
0x40: {  	_ =	shalt  }
0x41: {  	_ =	shalt  }
0x42: {  	_ =	shalt  }
0x43: {  	_ =	shalt  }
0x44: {  	_ =	shalt  }
0x45: {  	_ =	shalt  }
0x46: {  	_ =	shalt  }
0x47: {  	_ =	shalt  }
0x48: {  	_ =	shalt  }
0x49: {  	_ =	shalt  }
0x4a: {  	_ =	shalt  }
0x4b: {  	_ =	shalt  }
0x4c: {  	_ =	shalt  }
0x4d: {  	_ =	shalt  }
0x4e: {  	_ =	shalt  }
0x4f: {  	_ =	shalt  }
0x50: {  	_ =	shalt  }
0x51: {  	_ =	shalt  }
0x52: {  	_ =	shalt  }
0x53: {  	_ =	shalt  }
0x54: {  	_ =	shalt  }
0x55: {  	_ =	shalt  }
0x56: {  	_ =	shalt  }
0x57: {  	_ =	shalt  }
0x58: {  	_ =	shalt  }
0x59: {  	_ =	shalt  }
0x5a: {  	_ =	shalt  }
0x5b: {  	_ =	shalt  }
0x5c: {  	_ =	shalt  }
0x5d: {  	_ =	shalt  }
0x5e: {  	_ =	shalt  }
0x5f: {  	_ =	shalt  }
0x60: {  	_ =	shalt  }
0x61: {  	_ =	shalt  }
0x62: {  	_ =	shalt  }
0x63: {  	_ =	shalt  }
0x64: {  	_ =	shalt  }
0x65: {  	_ =	shalt  }
0x66: {  	_ =	shalt  }
0x67: {  	_ =	shalt  }
0x68: {  	_ =	shalt  }
0x69: {  	_ =	shalt  }
0x6a: {  	_ =	shalt  }
0x6b: {  	_ =	shalt  }
0x6c: {  	_ =	shalt  }
0x6d: {  	_ =	shalt  }
0x6e: {  	_ =	shalt  }
0x6f: {  	_ =	shalt  }
0x70: {  	_ =	shalt  }
0x71: {  	_ =	shalt  }
0x72: {  	_ =	shalt  }
0x73: {  	_ =	shalt  }
0x74: {  	_ =	shalt  }
0x75: {  	_ =	shalt  }
0x76: {  	_ =	shalt  }
0x77: {  	_ =	shalt  }
0x78: {  	_ =	shalt  }
0x79: {  	_ =	shalt  }
0x7a: {  	_ =	shalt  }
0x7b: {  	_ =	shalt  }
0x7c: {  	_ =	shalt  }
0x7d: {  	_ =	shalt  }
0x7e: {  	_ =	shalt  }
0x7f: {  	_ =	shalt  }
0x80: {  	_ =	shalt  }
0x81: {  	_ =	shalt  }
0x82: {  	_ =	shalt  }
0x83: {  	_ =	shalt  }
0x84: {  	_ =	shalt  }
0x85: {  	_ =	shalt  }
0x86: {  	_ =	shalt  }
0x87: {  	_ =	shalt  }
.Lfunc_end0:
.L_simem_size_0:
called_computation.2_lowered:
.L_overlay_start_0:
0x88: {  	s2 =	sld [smem:$0x3FD9]  }
0x89: {  	s3 =	sld [smem:$0x3FFE];
	_ =	sdelay $0x1  }
0x8a: {  	s1 =	srdreg.scid  }
0x8b: {  	s0 =	sand.u32 $0x1, s1  }
0x8c: {  	s17 =	sshll.u32 s0, $0xA;
	s2 =	sadd.s32 s3, s2  }
0x8d: {  	s2 =	sadd.s32 s2, s17  }
0x8e: {  	[smem:$0x3FC2] =	sst s2  }
0x8f: {  	_ = 	snop  }
0x90: {  	s2 =	sld [smem:$0x3FD0];
	(tm) =	ssettm $0x1  }
0x91: {  	s18 =	sld [smem:$0x3FFB];
	_ =	sdelay $0x3  }
0x92: {  	_ =	strace s18  }
0x93: {  	s3 =	sld [smem:$0x3FFC];
	_ =	sdelay $0x3  }
0x94: {  	_ =	strace s3  }
0x95: {  	s3 =	sld [smem:$0x3FFD];
	_ =	sdelay $0x3  }
0x96: {  	_ =	strace s3  }
0x97: {  	_ =	strace $0x8FFFFFFF  }
0x98: {  	s19 =	sld [smem:$0x3FDB];
	_ =	sdelay $0x1  }
0x99: {  	s4 =	simm.s32 $_scs_section_size  }
0x9a: {  	s5 =	simm.s32 $_size__tile_overlayer_lowered;
	s6 =	simm.s32 $_tile_overlayer_lowered  }
0x9b: {  	s22 =	simm.s32 $0x1BFF;
	s21 =	sshll.u32 s6, $0x1;
	s3 =	sadd.s32 s4, s19  }
0x9c: {  	s7 =	simm.s32 $0x0;
	s20 =	sshll.u32 s5, $0x1;
	s5 =	sadd.s32 s21, s3  }
0x9d: {  	[timem:s7], [sflag:s22] =	dma.local [hbm:s5], s20  }
0x9e: {  	_ =	swait.ge [sflag:s22], s20  }
0x9f: {  	s4 =	ssub.s32 $0x0, s20;
	[sflag:s22] =	ssyncset.done $0x0  }
0xa0: {  	[sflag:s22] =	ssyncadd.s32 s4;
	_ =	sdelay $0x1  }
0xa1: {  	s23 =	simm.s32 $0x1B8B  }
0xa2: {  	_ =	swait.ge [sflag:s23], $0x1  }
0xa3: {  	[sflag:s23] =	ssyncset.done $0x0  }
0xa4: {  	s25 =	simm.s32 $0x1B8E;
	s24 =	sld [smem:$0x3FFE];
	[sflag:s23] =	ssyncadd.s32 $0xFFFFFFFF  }
0xa5: {  	s26 =	simm.s32 $execute0_lowered;
	[smem:$0x3FD2] =	sst s25  }
0xa6: {  	s5 =	sshll.u32 s26, $0x1;
	_ =	strace $0x8000004C;
	[dreg:$0x1] =	wrdreg $0xFFFFFFFF  }
0xa7: {  	s28 =	simm.s32 $_size_execute0_lowered;
	s3 =	sadd.s32 s3, s5;
	[dreg:$0x0] =	wrdreg $0x0  }
0xa8: {  	s5 =	sshll.u32 s28, $0x1;
	[dreg:$0x2] =	wrdreg s3  }
0xa9: {  	[dreg:$0x3] =	wrdreg s5  }
0xaa: {  	[dreg:$0x4] =	wrdreg $0xC0  }
0xab: {  	_ =	task [dreg:s7], $0x5FFFF  }
0xac: {  	[dreg:$0x1] =	wrdreg $0xFFFFFFFF  }
0xad: {  	[dreg:$0x0] =	wrdreg $0x60  }
0xae: {  	[dreg:$0x2] =	wrdreg s24  }
0xaf: {  	[dreg:$0x3] =	wrdreg s2  }
0xb0: {  	[dreg:$0x4] =	wrdreg $0xD0000  }
0xb1: {  	[dreg:$0x5] =	wrdreg $0x9  }
0xb2: {  	_ =	task.clear_ibuf [dreg:s7], $0x6FFFF;
	_ =	strace $0x9000004C  }
0xb3: {  	s29 =	simm.s32 $0x9;
	_ =	strace $0x8000004E  }
0xb4: {  	_ =	swait.ge [sflag:s29], $0x1  }
0xb5: {  	[sflag:s29] =	ssyncadd.s32 $0xFFFFFFFF  }
0xb6: {  	_ =	strace $0x9000004E  }
0xb7: {  	_ =	sfence  }
0xb8: {  	s30 =	sld [smem:$0x0];
	_ =	sdelay $0x2  }
0xb9: {  	s31 =	sshll.u32 s1, $0xD;
	s1 =	sshrl.u32 s1, $0x2  }
0xba: {  	s3 =	sand.u32 $0x4000, s31;
	s1 =	sadd.s32 s1, s30  }
0xbb: {  	s0 =	sor.u32 s3, s0;
	s1 =	sshll.u32 s1, $0x11  }
0xbc: {  	s0 =	sor.u32 s1, s0  }
0xbd: {  	s0 =	sadd.s32 $0x8F2B, s0  }
0xbe: {  	[sflag:s0] =	ssyncadd.remote.s32 $0x1  }
0xbf: {  	_ =	sfence.sel $0xFFFF  }
0xc0: {  	[dreg:$0x0] =	wrdreg $0xFFFFFFFF;
	(pc) =	sbr.abs _section_cstart, $3  }
0xc1: {  	[dreg:$0x1] =	wrdreg $0xFFFFFFFF  }
0xc2: {  	_ =	task.clear_ibuf [dreg:s7], $0x2FFFF;
	_ =	strace $0x9FFFFFFF  }
0xc3: {  	(tm) =	ssettm $0x7FFFFFFF  }
tec
execute0_lowered:
.L_overlay_start_1:
0x0: {  	(tag) =	ssettag $0x1  }
0x1: {  	s0 =	srdreg.scid  }
0x2: {  	s12 =	stileid.u32;
	s1 =	rddreg [dreg:$0x0]  }
0x3: {  	s8 =	rddreg [dreg:$0x1];
	s14 =	simm.s32 $0x80;
	s15 =	simm.s32 $0x5000  }
0x4: {  	s16 =	simm.s32 $0x7000;
	s18 =	simm.s32 $0x9000;
	s20 =	simm.s32 $0xB000  }
0x5: {  	s21 =	simm.s32 $0x1;
	s22 =	simm.s32 $0x2;
	s23 =	simm.s32 $0x3  }
0x6: {  	s24 =	simm.s32 $0x4;
	s28 =	simm.s32 $0x7;
	s29 =	simm.s32 $0x8  }
0x7: {  	s31 =	simm.s32 $0x4E80;
	s13 =	simm.s32 $0x0;
	s5 =	smul.u32 $0xA000, s12  }
0x8: {  	s0 =	sand.u32 $0x1, s0;
	s2 =	sshll.u32 s12, $0x1;
	s6 =	smul.u32 $0x1400, s12  }
0x9: {  	s4 =	sadd.s32 $0x2200, s1;
	s26 =	sshll.u32 s12, $0x6;
	s12 =	simm.s32 $0x9  }
0xa: {  	s3 =	sor.u32 s0, s2;
	s2 =	rddreg [dreg:$0x2];
	s7 =	smul.u32 $0x14000, s0  }
0xb: {  	s0 =	ssub.s32 $0x2, s0;
	s9 =	smul.u32 $0x500, s3;
	s3 =	simm.s32 $0x0  }
0xc: {  	s11 =	sshrl.u32 s5, $0x3;
	s25 =	sshrl.u32 s0, $0x1;
	s30 =	sadd.s32 s5, s2  }
0xd: {  	[smem:$0x7FF] =	sst s3;
	s11 =	sadd.s32 s11, s1;
	s6 =	sadd.s32 s6, s7  }
0xe: {  	s0 =	ssub.s32 s0, s25;
	s25 =	simm.s32 $0x5;
	_ =	strace $0x8000004D  }
0xf: {  	s10 =	sadd.s32 s9, s1;
	s1 =	sadd.s32 s6, s1;
	s5 =	sadd.s32 $0x16200, s11  }
0x10: {  	s6 =	sor.u32 $0x1C09, s26;
	s8 =	sadd.s32 s8, s9;
	s11 =	sshrl.u32 s30, $0x3  }
0x11: {  	s26 =	simm.s32 $0x6;
	s7 =	sadd.s32 $0x39400, s10;
	s9 =	sadd.s32 $0x6B400, s1  }
0x12: {  	s10 =	smax.u32 s0, $0x1;
	s1 =	simm.s32 $0x4F00;
	s0 =	simm.s32 $0x4F80  }
.LBB2_1:
0x13: {  	[spmem:s11], [sflag:s6] =	dma.local [hbm:s5], $0x1400  }
0x14: {  	_ =	swait.ge [sflag:s12], $0x1400  }
0x15: {  	[sflag:s12] =	ssyncset.done $0x0  }
0x16: {  	[sflag:s12] =	ssyncadd.s32 $0xFFFFEC00  }
0x17: {  	[bflag:$0x0] =	sbarrier.arrive $0xFFFF  }
0x18: {  	[tilespmem:s3], [sflag:$0x9] =	stream.linear.gather [hbm4b:s7+s3], $0x2800, $0x38;
	[tilespmem:$0x17000] =	vst v63  }
0x19: {  	_ =	swait.ge [sflag:s12], $0x2800  }
0x1a: {  	[sflag:s12] =	ssyncset.done $0x0  }
0x1b: {  	s17 =	simm.s32 $0x2800;
	[sflag:s12] =	ssyncadd.s32 $0xFFFFD800  }
0x1c: {  	[tilespmem:s17], [sflag:$0x9] =	stream.linear.gather [hbm4b:s8+s3], $0x2800, $0x38;
	[tilespmem:$0x17000] =	vst v63  }
0x1d: {  	_ =	swait.ge [sflag:s12], $0x2800  }
0x1e: {  	[sflag:s12] =	ssyncset.done $0x0  }
0x1f: {  	[sflag:s12] =	ssyncadd.s32 $0xFFFFD800  }
0x20: {  	[tilespmem:s15], [sflag:$0x1] =	stream.indirect.gather [hbm4b:s4+s14], $0x40, s3, s14, $0xb8;
	[tilespmem:$0x17000] =	vst v63  }
0x21: {  	_ = 	snop  }
0x22: {  	[tilespmem:s16], [sflag:$0x2] =	stream.indirect.gather [hbm4b:s4+s14], $0x40, s14, s14, $0xb8;
	[tilespmem:$0x17000] =	vst v63  }
0x23: {  	s30 =	simm.s32 $0x100  }
0x24: {  	[tilespmem:s18], [sflag:$0x3] =	stream.indirect.gather [hbm4b:s4+s14], $0x40, s30, s14, $0xb8;
	[tilespmem:$0x17000] =	vst v63  }
0x25: {  	s19 =	simm.s32 $0x180  }
0x26: {  	[tilespmem:s20], [sflag:$0x4] =	stream.indirect.gather [hbm4b:s4+s14], $0x40, s19, s14, $0xb8;
	[tilespmem:$0x17000] =	vst v63  }
0x27: {  	_ =	swait.ge [sflag:s21], $0x2000  }
0x28: {  	[sflag:s21] =	ssyncset.done $0x0  }
0x29: {  	s30 =	simm.s32 $0x2800;
	[sflag:s21] =	ssyncadd.s32 $0xFFFFE000  }
0x2a: {  	[spmem:s2] =	stream.indirect.scatter.add.f32 [tilespmem:s15], [sflag:$0x5], $0x40, s30, s14, $0xb8;
	[tilespmem:$0x17000] =	vst v63  }
0x2b: {  	_ =	swait.ge [sflag:s22], $0x2000  }
0x2c: {  	[sflag:s22] =	ssyncset.done $0x0  }
0x2d: {  	s19 =	simm.s32 $0x2880;
	[sflag:s22] =	ssyncadd.s32 $0xFFFFE000  }
0x2e: {  	[spmem:s2] =	stream.indirect.scatter.add.f32 [tilespmem:s16], [sflag:$0x6], $0x40, s19, s14, $0xb8;
	[tilespmem:$0x17000] =	vst v63  }
0x2f: {  	_ =	swait.ge [sflag:s23], $0x2000  }
0x30: {  	[sflag:s23] =	ssyncset.done $0x0  }
0x31: {  	s30 =	simm.s32 $0x2900;
	[sflag:s23] =	ssyncadd.s32 $0xFFFFE000  }
0x32: {  	[spmem:s2] =	stream.indirect.scatter.add.f32 [tilespmem:s18], [sflag:$0x7], $0x40, s30, s14, $0xb8;
	[tilespmem:$0x17000] =	vst v63  }
0x33: {  	_ =	swait.ge [sflag:s24], $0x2000  }
0x34: {  	[sflag:s24] =	ssyncset.done $0x0  }
0x35: {  	s19 =	simm.s32 $0x2980;
	[sflag:s24] =	ssyncadd.s32 $0xFFFFE000  }
0x36: {  	[spmem:s2] =	stream.indirect.scatter.add.f32 [tilespmem:s20], [sflag:$0x8], $0x40, s19, s14, $0xb8;
	[tilespmem:$0x17000] =	vst v63  }
0x37: {  	_ =	swait.ge [sflag:s25], $0x2000  }
0x38: {  	[sflag:s25] =	ssyncset.done $0x0  }
0x39: {  	s30 =	simm.s32 $0x200;
	[sflag:s25] =	ssyncadd.s32 $0xFFFFE000  }
0x3a: {  	[tilespmem:s15], [sflag:$0x1] =	stream.indirect.gather [hbm4b:s4+s14], $0x40, s30, s14, $0xb8;
	[tilespmem:$0x17000] =	vst v63  }
0x3b: {  	_ =	swait.ge [sflag:s26], $0x2000  }
0x3c: {  	[sflag:s26] =	ssyncset.done $0x0  }
0x3d: {  	s19 =	simm.s32 $0x280;
	[sflag:s26] =	ssyncadd.s32 $0xFFFFE000  }
0x3e: {  	[tilespmem:s16], [sflag:$0x2] =	stream.indirect.gather [hbm4b:s4+s14], $0x40, s19, s14, $0xb8;
	[tilespmem:$0x17000] =	vst v63  }
0x3f: {  	_ =	swait.ge [sflag:s28], $0x2000  }
0x40: {  	[sflag:s28] =	ssyncset.done $0x0  }
0x41: {  	s30 =	simm.s32 $0x300;
	[sflag:s28] =	ssyncadd.s32 $0xFFFFE000  }
0x42: {  	[tilespmem:s18], [sflag:$0x3] =	stream.indirect.gather [hbm4b:s4+s14], $0x40, s30, s14, $0xb8;
	[tilespmem:$0x17000] =	vst v63  }
0x43: {  	_ =	swait.ge [sflag:s29], $0x2000  }
0x44: {  	[sflag:s29] =	ssyncset.done $0x0  }
0x45: {  	s17 =	simm.s32 $0x800;
	s19 =	simm.s32 $0x380;
	[sflag:s29] =	ssyncadd.s32 $0xFFFFE000  }
.LBB2_2:
0x46: {  	[tilespmem:s20], [sflag:$0x4] =	stream.indirect.gather [hbm4b:s4+s14], $0x40, s19, s14, $0xb8;
	[tilespmem:$0x17000] =	vst v63  }
0x47: {  	s19 =	smov.u32 s17  }
0x48: {  	p0 =	sne.s32 s17, $0x9000;
	s17 =	sadd.s32 $0x800, s17;
	_ =	swait.ge [sflag:s21], $0x2000  }
0x49: {  	s19 =	sshra.s32 s19, $0x2;
	[sflag:s21] =	ssyncset.done $0x0  }
0x4a: {  	s30 =	sadd.s32 $0x2800, s19;
	[sflag:s21] =	ssyncadd.s32 $0xFFFFE000  }
0x4b: {  	[spmem:s2] =	stream.indirect.scatter.add.f32 [tilespmem:s15], [sflag:$0x5], $0x40, s30, s14, $0xb8;
	[tilespmem:$0x17000] =	vst v63  }
0x4c: {  	_ =	swait.ge [sflag:s22], $0x2000  }
0x4d: {  	[sflag:s22] =	ssyncset.done $0x0  }
0x4e: {  	s30 =	sadd.s32 $0x2880, s19;
	[sflag:s22] =	ssyncadd.s32 $0xFFFFE000  }
0x4f: {  	[spmem:s2] =	stream.indirect.scatter.add.f32 [tilespmem:s16], [sflag:$0x6], $0x40, s30, s14, $0xb8;
	[tilespmem:$0x17000] =	vst v63  }
0x50: {  	_ =	swait.ge [sflag:s23], $0x2000  }
0x51: {  	[sflag:s23] =	ssyncset.done $0x0  }
0x52: {  	s30 =	sadd.s32 $0x2900, s19;
	[sflag:s23] =	ssyncadd.s32 $0xFFFFE000  }
0x53: {  	[spmem:s2] =	stream.indirect.scatter.add.f32 [tilespmem:s18], [sflag:$0x7], $0x40, s30, s14, $0xb8;
	[tilespmem:$0x17000] =	vst v63  }
0x54: {  	_ =	swait.ge [sflag:s24], $0x2000  }
0x55: {  	[sflag:s24] =	ssyncset.done $0x0  }
0x56: {  	s30 =	sadd.s32 $0x2980, s19;
	[sflag:s24] =	ssyncadd.s32 $0xFFFFE000  }
0x57: {  	[spmem:s2] =	stream.indirect.scatter.add.f32 [tilespmem:s20], [sflag:$0x8], $0x40, s30, s14, $0xb8;
	[tilespmem:$0x17000] =	vst v63  }
0x58: {  	_ =	swait.ge [sflag:s25], $0x2000  }
0x59: {  	[sflag:s25] =	ssyncset.done $0x0  }
0x5a: {  	s30 =	sadd.s32 $0x200, s19;
	[sflag:s25] =	ssyncadd.s32 $0xFFFFE000  }
0x5b: {  	[tilespmem:s15], [sflag:$0x1] =	stream.indirect.gather [hbm4b:s4+s14], $0x40, s30, s14, $0xb8;
	[tilespmem:$0x17000] =	vst v63  }
0x5c: {  	_ =	swait.ge [sflag:s26], $0x2000  }
0x5d: {  	[sflag:s26] =	ssyncset.done $0x0  }
0x5e: {  	s30 =	sadd.s32 $0x280, s19;
	[sflag:s26] =	ssyncadd.s32 $0xFFFFE000  }
0x5f: {  	[tilespmem:s16], [sflag:$0x2] =	stream.indirect.gather [hbm4b:s4+s14], $0x40, s30, s14, $0xb8;
	[tilespmem:$0x17000] =	vst v63  }
0x60: {  	_ =	swait.ge [sflag:s28], $0x2000  }
0x61: {  	[sflag:s28] =	ssyncset.done $0x0  }
.Ltmp0:
0x62: {  	s30 =	sadd.s32 $0x300, s19;
	[sflag:s28] =	ssyncadd.s32 $0xFFFFE000;
	(pc) =	sbr.rel @p0 .LBB2_2-.Ltmp0, $4  }
0x63: {  	[tilespmem:s18], [sflag:$0x3] =	stream.indirect.gather [hbm4b:s4+s14], $0x40, s30, s14, $0xb8;
	[tilespmem:$0x17000] =	vst v63  }
0x64: {  	_ =	swait.ge [sflag:s29], $0x2000  }
0x65: {  	[sflag:s29] =	ssyncset.done $0x0  }
0x66: {  	s19 =	sadd.s32 $0x380, s19;
	[sflag:s29] =	ssyncadd.s32 $0xFFFFE000  }
0x67: {  	[tilespmem:s20], [sflag:$0x4] =	stream.indirect.gather [hbm4b:s4+s14], $0x40, s19, s14, $0xb8;
	[tilespmem:$0x17000] =	vst v63  }
0x68: {  	_ =	swait.ge [sflag:s21], $0x2000  }
0x69: {  	[sflag:s21] =	ssyncset.done $0x0  }
0x6a: {  	s17 =	simm.s32 $0x4E00;
	[sflag:s21] =	ssyncadd.s32 $0xFFFFE000  }
0x6b: {  	[spmem:s2] =	stream.indirect.scatter.add.f32 [tilespmem:s15], [sflag:$0x9], $0x40, s17, s14, $0xb8;
	[tilespmem:$0x17000] =	vst v63  }
0x6c: {  	_ =	swait.ge [sflag:s12], $0x2000  }
0x6d: {  	[sflag:s12] =	ssyncset.done $0x0  }
0x6e: {  	[sflag:s12] =	ssyncadd.s32 $0xFFFFE000  }
0x6f: {  	_ =	swait.ge [sflag:s22], $0x2000  }
0x70: {  	[sflag:s22] =	ssyncset.done $0x0  }
0x71: {  	[sflag:s22] =	ssyncadd.s32 $0xFFFFE000  }
0x72: {  	[spmem:s2] =	stream.indirect.scatter.add.f32 [tilespmem:s16], [sflag:$0x9], $0x40, s31, s14, $0xb8;
	[tilespmem:$0x17000] =	vst v63  }
0x73: {  	_ =	swait.ge [sflag:s12], $0x2000  }
0x74: {  	[sflag:s12] =	ssyncset.done $0x0  }
0x75: {  	[sflag:s12] =	ssyncadd.s32 $0xFFFFE000  }
0x76: {  	_ =	swait.ge [sflag:s23], $0x2000  }
0x77: {  	[sflag:s23] =	ssyncset.done $0x0  }
0x78: {  	[sflag:s23] =	ssyncadd.s32 $0xFFFFE000  }
0x79: {  	[spmem:s2] =	stream.indirect.scatter.add.f32 [tilespmem:s18], [sflag:$0x9], $0x40, s1, s14, $0xb8;
	[tilespmem:$0x17000] =	vst v63  }
0x7a: {  	_ =	swait.ge [sflag:s12], $0x2000  }
0x7b: {  	[sflag:s12] =	ssyncset.done $0x0  }
0x7c: {  	[sflag:s12] =	ssyncadd.s32 $0xFFFFE000  }
0x7d: {  	_ =	swait.ge [sflag:s24], $0x2000  }
0x7e: {  	[sflag:s24] =	ssyncset.done $0x0  }
0x7f: {  	[sflag:s24] =	ssyncadd.s32 $0xFFFFE000  }
0x80: {  	[spmem:s2] =	stream.indirect.scatter.add.f32 [tilespmem:s20], [sflag:$0x9], $0x40, s0, s14, $0xb8;
	[tilespmem:$0x17000] =	vst v63  }
0x81: {  	_ =	swait.ge [sflag:s12], $0x2000  }
0x82: {  	s13 =	sadd.s32 $0x1, s13;
	[sflag:s12] =	ssyncset.done $0x0  }
0x83: {  	p0 =	sne.s32 s13, s10;
	[sflag:s12] =	ssyncadd.s32 $0xFFFFE000  }
.Ltmp1:
0x84: {  	[bflag:$0x0] =	sbarrier.arrive $0xFFFF;
	(pc) =	sbr.rel @p0 .LBB2_1-.Ltmp1, $4  }
0x85: {  	[hbm:s9], [sflag:s6] =	dma.local [spmem:s11], $0x1400  }
0x86: {  	_ =	swait.ge [sflag:s12], $0x1400  }
0x87: {  	[sflag:s12] =	ssyncset.done $0x0  }
0x88: {  	[sflag:s12] =	ssyncadd.s32 $0xFFFFEC00  }
0x89: {  	_ =	sfence.sel $0x180000  }
0x8a: {  	[bflag:$0x0] =	sbarrier.arrive $0xFFFF  }
0x8b: {  	_ =	strace $0x9000004D  }
0x8c: {  	s0 =	stileid.u32;
	[bflag:$0x2] =	sbarrier.arrive $0xFFFF  }
0x8d: {  	p0 =	sne.s32 s0, $0x0;
	s0 =	rddreg [dreg:$0x3]  }
0x8e: {  	s0 =	sadd.s32 @!p0 $0x100000, s0  }
0x8f: {  	[sflag:s0] =	ssyncadd.tile.s32 @!p0 $0x1;
	_ =	shalt  }
.Lfunc_end2:
_tile_overlayer_lowered:
.L_overlay_start_2:
0x90: {  	(tag) =	ssettag $0x2  }
0x91: {  	s0 =	rddreg [dreg:$0x0];
	s2 =	stileid.u32  }
0x92: {  	s1 =	rddreg [dreg:$0x1];
	p0 =	sne.s32 s2, $0x0  }
0x93: {  	s3 =	rddreg [dreg:$0x2];
	[bflag:$0x3] =	sbarrier.arrive $0xFFFF;
	s2 =	simm.s32 @!p0 $0x1C09  }
0x94: {  	[timem:s3], [sflag:s2] =	dma.local @!p0 [hbm:s0], s1  }
0x95: {  	s0 =	simm.s32 @!p0 $0x9  }
0x96: {  	_ =	swait.ge @!p0 [sflag:s0], s1  }
0x97: {  	s1 =	ssub.s32 @!p0 $0x0, s1;
	[sflag:s0] =	ssyncset.done @!p0 $0x0  }
0x98: {  	[sflag:s0] =	ssyncadd.s32 @!p0 s1  }
0x99: {  	[bflag:$0x3] =	sbarrier.arrive $0xFFFF  }
0x9a: {  	_ =	shalt  }

// kernel: kernel.8.cloned.1.call-start
scs
__scs_entry_jumppad:
0x0: {  	(pc) =	sbr.rel $0x88, $3  }
0x1: {  	(tag) =	ssettag $0x0;
	lr =	simm.s32 $0x1  }
0x2: {  	[smem:$0x3F9B] =	sst lr;
	_ =	strace $0xD0000000  }
0x3: {  	_ = 	snop  }
0x4: {  	_ = 	snop  }
0x5: {  	_ = 	snop  }
0x6: {  	_ = 	snop  }
0x7: {  	_ = 	snop  }
__scs_overlays_trampoline_lowered:
0x8: {  	[smem:$0x3FAA] =	sst s0  }
0x9: {  	[smem:$0x3FAB] =	sst s1  }
0xa: {  	[smem:$0x3FAC] =	sst s2  }
0xb: {  	[smem:$0x3FAD] =	sst s3  }
0xc: {  	[smem:$0x3FAE] =	sst s4  }
0xd: {  	[smem:$0x3FAF] =	sst s5  }
0xe: {  	[smem:$0x3FB0] =	sst s6  }
0xf: {  	[smem:$0x3FB1] =	sst s7  }
0x10: {  	[smem:$0x3FB2] =	sst s8  }
0x11: {  	[smem:$0x3FB3] =	sst s9;
	s0 =	simm.s32 @!p0 $0x0  }
0x12: {  	s1 =	sld [smem:$0x3F99];
	s0 =	simm.s32 @p0 $0x1  }
0x13: {  	[smem:$0x3FB4] =	sst s0;
	s0 =	simm.s32 @!p1 $0x0  }
0x14: {  	s2 =	sld [smem:$0x3F98];
	s0 =	simm.s32 @p1 $0x1  }
0x15: {  	[smem:$0x3FB5] =	sst s0;
	s0 =	simm.s32 @!p2 $0x0  }
0x16: {  	s3 =	sld [smem:$0x3FDB];
	s0 =	simm.s32 @p2 $0x1  }
0x17: {  	s4 =	simm.s32 $0x1BF5;
	[smem:$0x3FB7] =	sst s0  }
0x18: {  	s0 =	sld [smem:$0x3F9A];
	_ =	swait.ge [sflag:s4], $0x0  }
0x19: {  	s7 =	sld [smem:$0x3F9B]  }
0x1a: {  	s8 =	sadd.s32 $0xFFFFE003, lr  }
0x1b: {  	s9 =	sadd.s32 $0xFFFFFEF7, lr;
	s5 =	simm.s32 $0xFFFFFFFF;
	p2 =	slt.u32 s8, $0xFFFFF086  }
0x1c: {  	p1 =	slt.u32 s9, $0xF7A;
	s5 =	simm.s32 @!p2 $0x0  }
0x1d: {  	s5 =	simm.s32 @p1 $0x1;
	p0 =	seq.s32 s7, s2  }
0x1e: {  	s7 =	smul.u32 @!p0 $0xF7A, s2;
	p2 =	seq.s32 @!p0 s5, $0x0  }
0x1f: {  	s9 =	smul.u32 $0xF7A, s1;
	s8 =	simm.s32 @!p0 $0x1BF5;
	p2 =	por !p2, p0  }
0x20: {  	[sflag:s8] =	ssyncset.s32 @!p0 $0xFFFFF086;
	s6 =	sadd.s32 @!p0 s3, s7;
	s7 =	simm.s32 @!p0 $0x108  }
0x21: {  	s3 =	sadd.s32 s3, s9;
	s6 =	sadd.s32 @!p0 $0x88, s6;
	s7 =	simm.s32 @p2 $0x1082  }
0x22: {  	[simem:s7], [sflag:s8] =	dma.local @!p0 [hbm:s6], $0xF7A  }
0x23: {  	s9 =	sor.u32 $0xD0000000, s2;
	s6 =	simm.s32 $0x108;
	_ =	swait.ge @!p0 [sflag:s8], $0x0  }
0x24: {  	s3 =	sadd.s32 $0x88, s3;
	s6 =	simm.s32 @!p1 $0x1082;
	[sflag:s4] =	ssyncset.s32 $0xFFFFF086  }
0x25: {  	[simem:s6], [sflag:s4] =	dma.local [hbm:s3], $0xF7A  }
0x26: {  	[smem:$0x3F9B] =	sst s1;
	(tag) =	ssettag s2;
	_ =	strace s9  }
0x27: {  	s1 =	sld [smem:$0x3FAB]  }
0x28: {  	s2 =	sld [smem:$0x3FAC]  }
0x29: {  	s4 =	sld [smem:$0x3FAE]  }
0x2a: {  	p0 =	seq.s32 s5, $0x0;
	s5 =	sld [smem:$0x3FAF]  }
0x2b: {  	s6 =	sld [smem:$0x3FB0]  }
0x2c: {  	s7 =	sld [smem:$0x3FB1]  }
0x2d: {  	s3 =	simm.s32 $0x108;
	s8 =	sld [smem:$0x3FB2]  }
0x2e: {  	s3 =	simm.s32 @!p0 $0x1082;
	s9 =	sld [smem:$0x3FB3]  }
0x2f: {  	lr =	sadd.s32 s0, s3;
	s0 =	sld [smem:$0x3FAA]  }
0x30: {  	s3 =	sld [smem:$0x3FAD]  }
0x31: {  	[smem:$0x3FB6] =	sst s10  }
0x32: {  	s10 =	sld [smem:$0x3FB4];
	_ =	sdelay $0x3  }
0x33: {  	p0 =	seq.s32 s10, $0x1;
	s10 =	sld [smem:$0x3FB6];
	_ =	sdelay $0x3  }
0x34: {  	[smem:$0x3FB6] =	sst s10  }
0x35: {  	s10 =	sld [smem:$0x3FB5];
	_ =	sdelay $0x3  }
0x36: {  	p1 =	seq.s32 s10, $0x1;
	s10 =	sld [smem:$0x3FB6];
	_ =	sdelay $0x3  }
0x37: {  	[smem:$0x3FB6] =	sst s10  }
0x38: {  	s10 =	sld [smem:$0x3FB7]  }
0x39: {  	_ = 	snop;
	(pc) =	sbr.ind lr, $3  }
0x3a: {  	_ = 	snop  }
0x3b: {  	_ = 	snop  }
0x3c: {  	p2 =	seq.s32 s10, $0x1;
	s10 =	sld [smem:$0x3FB6]  }
0x3d: {  	_ =	shalt  }
0x3e: {  	_ =	shalt  }
0x3f: {  	_ =	shalt  }
0x40: {  	_ =	shalt  }
0x41: {  	_ =	shalt  }
0x42: {  	_ =	shalt  }
0x43: {  	_ =	shalt  }
0x44: {  	_ =	shalt  }
0x45: {  	_ =	shalt  }
0x46: {  	_ =	shalt  }
0x47: {  	_ =	shalt  }
0x48: {  	_ =	shalt  }
0x49: {  	_ =	shalt  }
0x4a: {  	_ =	shalt  }
0x4b: {  	_ =	shalt  }
0x4c: {  	_ =	shalt  }
0x4d: {  	_ =	shalt  }
0x4e: {  	_ =	shalt  }
0x4f: {  	_ =	shalt  }
0x50: {  	_ =	shalt  }
0x51: {  	_ =	shalt  }
0x52: {  	_ =	shalt  }
0x53: {  	_ =	shalt  }
0x54: {  	_ =	shalt  }
0x55: {  	_ =	shalt  }
0x56: {  	_ =	shalt  }
0x57: {  	_ =	shalt  }
0x58: {  	_ =	shalt  }
0x59: {  	_ =	shalt  }
0x5a: {  	_ =	shalt  }
0x5b: {  	_ =	shalt  }
0x5c: {  	_ =	shalt  }
0x5d: {  	_ =	shalt  }
0x5e: {  	_ =	shalt  }
0x5f: {  	_ =	shalt  }
0x60: {  	_ =	shalt  }
0x61: {  	_ =	shalt  }
0x62: {  	_ =	shalt  }
0x63: {  	_ =	shalt  }
0x64: {  	_ =	shalt  }
0x65: {  	_ =	shalt  }
0x66: {  	_ =	shalt  }
0x67: {  	_ =	shalt  }
0x68: {  	_ =	shalt  }
0x69: {  	_ =	shalt  }
0x6a: {  	_ =	shalt  }
0x6b: {  	_ =	shalt  }
0x6c: {  	_ =	shalt  }
0x6d: {  	_ =	shalt  }
0x6e: {  	_ =	shalt  }
0x6f: {  	_ =	shalt  }
0x70: {  	_ =	shalt  }
0x71: {  	_ =	shalt  }
0x72: {  	_ =	shalt  }
0x73: {  	_ =	shalt  }
0x74: {  	_ =	shalt  }
0x75: {  	_ =	shalt  }
0x76: {  	_ =	shalt  }
0x77: {  	_ =	shalt  }
0x78: {  	_ =	shalt  }
0x79: {  	_ =	shalt  }
0x7a: {  	_ =	shalt  }
0x7b: {  	_ =	shalt  }
0x7c: {  	_ =	shalt  }
0x7d: {  	_ =	shalt  }
0x7e: {  	_ =	shalt  }
0x7f: {  	_ =	shalt  }
0x80: {  	_ =	shalt  }
0x81: {  	_ =	shalt  }
0x82: {  	_ =	shalt  }
0x83: {  	_ =	shalt  }
0x84: {  	_ =	shalt  }
0x85: {  	_ =	shalt  }
0x86: {  	_ =	shalt  }
0x87: {  	_ =	shalt  }
.Lfunc_end0:
.L_simem_size_0:
called_computation_lowered:
.L_overlay_start_0:
0x88: {  	s2 =	sld [smem:$0x3FD9]  }
0x89: {  	s3 =	sld [smem:$0x3FFE];
	_ =	sdelay $0x1  }
0x8a: {  	s1 =	srdreg.scid  }
0x8b: {  	s0 =	sand.u32 $0x1, s1  }
0x8c: {  	s17 =	sshll.u32 s0, $0xA;
	s2 =	sadd.s32 s3, s2  }
0x8d: {  	s2 =	sadd.s32 s2, s17  }
0x8e: {  	[smem:$0x3FC2] =	sst s2  }
0x8f: {  	_ = 	snop  }
0x90: {  	s2 =	sld [smem:$0x3FD0];
	(tm) =	ssettm $0x1  }
0x91: {  	s18 =	sld [smem:$0x3FFB];
	_ =	sdelay $0x3  }
0x92: {  	_ =	strace s18  }
0x93: {  	s3 =	sld [smem:$0x3FFC];
	_ =	sdelay $0x3  }
0x94: {  	_ =	strace s3  }
0x95: {  	s3 =	sld [smem:$0x3FFD];
	_ =	sdelay $0x3  }
0x96: {  	_ =	strace s3  }
0x97: {  	_ =	strace $0x8FFFFFFF  }
0x98: {  	s19 =	sld [smem:$0x3FDB];
	_ =	sdelay $0x1  }
0x99: {  	s4 =	simm.s32 $_scs_section_size  }
0x9a: {  	s5 =	simm.s32 $_size__tile_overlayer_lowered;
	s6 =	simm.s32 $_tile_overlayer_lowered  }
0x9b: {  	s22 =	simm.s32 $0x1BFF;
	s21 =	sshll.u32 s6, $0x1;
	s3 =	sadd.s32 s4, s19  }
0x9c: {  	s7 =	simm.s32 $0x0;
	s20 =	sshll.u32 s5, $0x1;
	s5 =	sadd.s32 s21, s3  }
0x9d: {  	[timem:s7], [sflag:s22] =	dma.local [hbm:s5], s20  }
0x9e: {  	_ =	swait.ge [sflag:s22], s20  }
0x9f: {  	s4 =	ssub.s32 $0x0, s20;
	[sflag:s22] =	ssyncset.done $0x0  }
0xa0: {  	[sflag:s22] =	ssyncadd.s32 s4;
	_ =	sdelay $0x1  }
0xa1: {  	s23 =	simm.s32 $0x1B8B  }
0xa2: {  	_ =	swait.ge [sflag:s23], $0x1  }
0xa3: {  	[sflag:s23] =	ssyncset.done $0x0  }
0xa4: {  	s25 =	simm.s32 $0x1B8E;
	s24 =	sld [smem:$0x3FFE];
	[sflag:s23] =	ssyncadd.s32 $0xFFFFFFFF  }
0xa5: {  	s26 =	simm.s32 $execute0_lowered;
	[smem:$0x3FD2] =	sst s25  }
0xa6: {  	s5 =	sshll.u32 s26, $0x1;
	_ =	strace $0x80000046;
	[dreg:$0x1] =	wrdreg $0xFFFFFFFF  }
0xa7: {  	s28 =	simm.s32 $_size_execute0_lowered;
	s3 =	sadd.s32 s3, s5;
	[dreg:$0x0] =	wrdreg $0x0  }
0xa8: {  	s5 =	sshll.u32 s28, $0x1;
	[dreg:$0x2] =	wrdreg s3  }
0xa9: {  	[dreg:$0x3] =	wrdreg s5  }
0xaa: {  	[dreg:$0x4] =	wrdreg $0xC0  }
0xab: {  	_ =	task [dreg:s7], $0x5FFFF  }
0xac: {  	[dreg:$0x1] =	wrdreg $0xFFFFFFFF  }
0xad: {  	[dreg:$0x0] =	wrdreg $0x60  }
0xae: {  	[dreg:$0x2] =	wrdreg s2  }
0xaf: {  	[dreg:$0x3] =	wrdreg s24  }
0xb0: {  	[dreg:$0x4] =	wrdreg $0x30000  }
0xb1: {  	[dreg:$0x5] =	wrdreg $0x9  }
0xb2: {  	_ =	task.clear_ibuf [dreg:s7], $0x6FFFF;
	_ =	strace $0x90000046  }
0xb3: {  	s29 =	simm.s32 $0x9;
	_ =	strace $0x80000048  }
0xb4: {  	_ =	swait.ge [sflag:s29], $0x1  }
0xb5: {  	[sflag:s29] =	ssyncadd.s32 $0xFFFFFFFF  }
0xb6: {  	_ =	strace $0x90000048  }
0xb7: {  	_ =	sfence  }
0xb8: {  	s30 =	sld [smem:$0x0];
	_ =	sdelay $0x2  }
0xb9: {  	s31 =	sshll.u32 s1, $0xD;
	s1 =	sshrl.u32 s1, $0x2  }
0xba: {  	s3 =	sand.u32 $0x4000, s31;
	s1 =	sadd.s32 s1, s30  }
0xbb: {  	s0 =	sor.u32 s3, s0;
	s1 =	sshll.u32 s1, $0x11  }
0xbc: {  	s0 =	sor.u32 s1, s0  }
0xbd: {  	s0 =	sadd.s32 $0x8F2B, s0  }
0xbe: {  	[sflag:s0] =	ssyncadd.remote.s32 $0x1  }
0xbf: {  	_ =	sfence.sel $0xFFFF  }
0xc0: {  	[dreg:$0x0] =	wrdreg $0xFFFFFFFF;
	(pc) =	sbr.abs _section_cstart, $3  }
0xc1: {  	[dreg:$0x1] =	wrdreg $0xFFFFFFFF  }
0xc2: {  	_ =	task.clear_ibuf [dreg:s7], $0x2FFFF;
	_ =	strace $0x9FFFFFFF  }
0xc3: {  	(tm) =	ssettm $0x7FFFFFFF  }
tec
execute0_lowered:
.L_overlay_start_1:
0x0: {  	(tag) =	ssettag $0x1  }
0x1: {  	s7 =	rddreg [dreg:$0x0]  }
0x2: {  	s5 =	rddreg [dreg:$0x1]  }
0x3: {  	s2 =	rddreg [dreg:$0x2]  }
0x4: {  	s1 =	stileid.u32;
	s0 =	rddreg [dreg:$0x3];
	s3 =	simm.s32 $0x0  }
0x5: {  	s4 =	srdreg.scid;
	s14 =	simm.s32 $0x0;
	s6 =	smul.u32 $0x2800, s1  }
0x6: {  	[smem:$0x7FF] =	sst s3;
	s9 =	sand.u32 $0x1, s4;
	s10 =	smul.u32 $0x500, s1  }
0x7: {  	s4 =	sadd.s32 $0x7200, s5;
	s13 =	sshll.u32 s1, $0x1;
	s31 =	sshll.u32 s1, $0x6  }
0x8: {  	_ =	strace $0x80000047;
	s11 =	smul.u32 $0x5000, s9;
	s12 =	ssub.s32 $0x2, s9  }
0x9: {  	s9 =	sor.u32 s9, s13;
	s13 =	simm.s32 $0x80;
	s8 =	sshrl.u32 s6, $0x3  }
0xa: {  	s29 =	sshrl.u32 s12, $0x1;
	s9 =	smul.u32 $0x500, s9;
	s30 =	sadd.s32 s6, s2  }
0xb: {  	s6 =	sor.u32 $0x1C01, s31;
	s8 =	sadd.s32 s8, s5;
	s10 =	sadd.s32 s10, s11  }
0xc: {  	s11 =	ssub.s32 s12, s29;
	s12 =	simm.s32 $0x2800;
	s10 =	sadd.s32 s10, s5  }
0xd: {  	s5 =	sadd.s32 $0x2200, s8;
	s7 =	sadd.s32 s7, s9;
	s9 =	smax.u32 s11, $0x1  }
0xe: {  	s11 =	simm.s32 $0x1;
	s8 =	sadd.s32 $0x7400, s10;
	s10 =	sshrl.u32 s30, $0x3  }
.LBB2_1:
0xf: {  	[spmem:s10], [sflag:s6] =	dma.local [hbm:s5], $0x500  }
0x10: {  	_ =	swait.ge [sflag:s11], $0x500  }
0x11: {  	[sflag:s11] =	ssyncset.done $0x0  }
0x12: {  	[sflag:s11] =	ssyncadd.s32 $0xFFFFFB00  }
0x13: {  	[tilespmem:s3], [sflag:$0x1] =	stream.linear.gather [hbm4b:s7+s3], $0x2800, $0x38;
	[tilespmem:$0x5800] =	vst v63  }
0x14: {  	_ =	swait.ge [sflag:s11], $0x2800  }
0x15: {  	[sflag:s11] =	ssyncset.done $0x0  }
0x16: {  	[sflag:s11] =	ssyncadd.s32 $0xFFFFD800  }
0x17: {  	[tilespmem:s12], [sflag:$0x1] =	stream.linear.gather [hbm4b:s4+s3], $0x800, $0x38;
	[tilespmem:$0x5800] =	vst v63  }
0x18: {  	_ =	swait.ge [sflag:s11], $0x800  }
0x19: {  	[sflag:s11] =	ssyncset.done $0x0  }
0x1a: {  	[sflag:s11] =	ssyncadd.s32 $0xFFFFF800  }
0x1b: {  	s15 =	simm.s32 $0x0;
	[bflag:$0x0] =	sbarrier.arrive $0xFFFF  }
0x1c: {  	[spmem:s2] =	stream.indirect.scatter.add.f32 [tilespmem:s12], [sflag:$0x1], $0x10, s15, s13, $0xb8;
	[tilespmem:$0x5800] =	vst v63  }
0x1d: {  	_ =	swait.ge [sflag:s11], $0x800  }
0x1e: {  	s15 =	simm.s32 $0x200;
	[sflag:s11] =	ssyncset.done $0x0  }
.LBB2_2:
0x1f: {  	s16 =	sshra.s32 s15, $0x2;
	[sflag:s11] =	ssyncadd.s32 $0xFFFFF800;
	p0 =	sne.s32 s15, $0x9E00  }
0x20: {  	[spmem:s2] =	stream.indirect.scatter.add.f32 [tilespmem:s12], [sflag:$0x1], $0x10, s16, s13, $0xb8;
	[tilespmem:$0x5800] =	vst v63  }
.Ltmp0:
0x21: {  	_ = 	snop;
	(pc) =	sbr.rel @p0 .LBB2_2-.Ltmp0, $4  }
0x22: {  	_ = 	snop  }
0x23: {  	s15 =	sadd.s32 $0x200, s15  }
0x24: {  	_ =	swait.ge [sflag:s11], $0x800  }
0x25: {  	[sflag:s11] =	ssyncset.done $0x0  }
0x26: {  	s14 =	sadd.s32 $0x1, s14  }
0x27: {  	[sflag:s11] =	ssyncadd.s32 $0xFFFFF800;
	p0 =	sne.s32 s14, s9  }
.Ltmp1:
0x28: {  	[bflag:$0x0] =	sbarrier.arrive $0xFFFF;
	(pc) =	sbr.rel @p0 .LBB2_1-.Ltmp1, $4  }
0x29: {  	[hbm:s8], [sflag:s6] =	dma.local [spmem:s10], $0x500  }
0x2a: {  	_ =	swait.ge [sflag:s11], $0x500  }
0x2b: {  	[sflag:s11] =	ssyncset.done $0x0  }
0x2c: {  	[sflag:s11] =	ssyncadd.s32 $0xFFFFFB00  }
0x2d: {  	_ =	sfence.sel $0x180000  }
0x2e: {  	[bflag:$0x0] =	sbarrier.arrive $0xFFFF  }
0x2f: {  	p0 =	sne.s32 s1, $0x0;
	_ =	strace $0x90000047  }
0x30: {  	s0 =	sadd.s32 @!p0 $0x100000, s0;
	[bflag:$0x2] =	sbarrier.arrive $0xFFFF  }
0x31: {  	[sflag:s0] =	ssyncadd.tile.s32 @!p0 $0x1;
	_ =	shalt  }
.Lfunc_end2:
_tile_overlayer_lowered:
.L_overlay_start_2:
0x32: {  	(tag) =	ssettag $0x2  }
0x33: {  	s0 =	rddreg [dreg:$0x0];
	s2 =	stileid.u32  }
0x34: {  	s1 =	rddreg [dreg:$0x1];
	p0 =	sne.s32 s2, $0x0  }
0x35: {  	s3 =	rddreg [dreg:$0x2];
	[bflag:$0x3] =	sbarrier.arrive $0xFFFF;
	s2 =	simm.s32 @!p0 $0x1C01  }
0x36: {  	[timem:s3], [sflag:s2] =	dma.local @!p0 [hbm:s0], s1  }
0x37: {  	s0 =	simm.s32 @!p0 $0x1  }
0x38: {  	_ =	swait.ge @!p0 [sflag:s0], s1  }
0x39: {  	s1 =	ssub.s32 @!p0 $0x0, s1;
	[sflag:s0] =	ssyncset.done @!p0 $0x0  }
0x3a: {  	[sflag:s0] =	ssyncadd.s32 @!p0 s1  }
0x3b: {  	[bflag:$0x3] =	sbarrier.arrive $0xFFFF  }
0x3c: {  	_ =	shalt  }

</sc_bundles>
